<compile_context>
chip_gen: v7x
topology: tpu7x:2x2x1
jax: 0.10.2.dev20260603
libtpu: 0.0.44.dev20260713+nightly
codegen_flags: <defaults>
</compile_context>

<pallas_src>
import functools

import jax
import jax.numpy as jnp
from jax import lax
from jax.experimental import pallas as pl
from jax.experimental.pallas import tpu as pltpu
from jax.experimental.pallas import tpu_sc as plsc

_D = 64
_DP = 128
_ROWS = 4096
_COLS = 200
_COLS_PAD = 208
_NC, _NS = 2, 16
_NW = _NC * _NS
_ROWS_W = _ROWS // _NW
_SPLITS = ((0, 104), (104, 96))
_NBUF = 4
_LOOK = 2
_STEPS = _ROWS_W // _NBUF


def _sc_embedding_gather(tokens_t, table):
  mesh = plsc.VectorSubcoreMesh(core_axis_name="c", subcore_axis_name="s")

  @functools.partial(
      pl.kernel,
      mesh=mesh,
      compiler_params=pltpu.CompilerParams(
          use_tc_tiling_on_sc=False, needs_layout_passes=False
      ),
      out_type=jax.ShapeDtypeStruct((_ROWS * _COLS, _DP), jnp.float32),
      scratch_types=[
          pltpu.VMEM((_COLS_PAD, _ROWS_W), jnp.int32),
          pltpu.VMEM((_ROWS_W, _COLS_PAD), jnp.int32),
          [pltpu.VMEM((_COLS, _D), jnp.float32) for _ in range(_NBUF)],
          pltpu.SemaphoreType.DMA,
          [pltpu.SemaphoreType.DMA for _ in range(_NBUF)],
          [pltpu.SemaphoreType.DMA for _ in range(_NBUF)],
      ],
  )
  def emb_kernel(tok_hbm, tab_hbm, out_hbm, blk, idxt, rows, isem, gsems,
                 ssems):
    wid = lax.axis_index("s") * _NC + lax.axis_index("c")
    row0 = wid * _ROWS_W

    blk_cp = pltpu.make_async_copy(
        tok_hbm.at[:, pl.ds(row0, _ROWS_W)], blk.at[pl.ds(0, _COLS)], isem
    )
    blk_cp.start()
    blk_cp.wait()

    lanes = lax.iota(jnp.int32, 16)
    cvecs = [lanes + 16 * cb for cb in range(_COLS_PAD // 16)]

    def trans_body(i, carry):
      r0 = (i // 16) * 16
      d = i % 16
      m = (d + lanes) % 16
      rvec = r0 + m
      for cvec in cvecs:
        v = plsc.load_gather(blk, [cvec, rvec])
        plsc.store_scatter(idxt, [rvec, cvec], v)
      return carry

    lax.fori_loop(0, _ROWS_W, trans_body, 0)

    def gathers(r, b):
      return [
          pltpu.make_async_copy(
              tab_hbm.at[idxt.at[r, pl.ds(off, sz)]],
              rows[b].at[pl.ds(off, sz)],
              gsems[b],
          )
          for off, sz in _SPLITS
      ]

    def store(r, b):
      return pltpu.make_async_copy(
          rows[b],
          out_hbm.at[pl.ds((row0 + r) * _COLS, _COLS), pl.ds(0, _D)],
          ssems[b],
      )

    for b in range(_LOOK):
      for g in gathers(b, b):
        g.start()

    def body(i, carry):
      for b in range(_NBUF):
        r = i * _NBUF + b
        for g in gathers(r, b):
          g.wait()
        store(r, b).start()

        t = r + _LOOK
        bt = (b + _LOOK) % _NBUF

        @pl.when(t < _ROWS_W)
        def _():
          @pl.when(t >= _NBUF)
          def _():
            store(t - _NBUF, bt).wait()

          for g in gathers(t, bt):
            g.start()

      return carry

    lax.fori_loop(0, _STEPS, body, 0)
    for b in range(_NBUF):
      store(_ROWS_W - _NBUF + b, b).wait()

  return emb_kernel(tokens_t, table)


def kernel(tokens, embedding):
  out2 = _sc_embedding_gather(tokens.T.astype(jnp.int32), embedding)
  return out2[:, :_D].reshape(_ROWS, _COLS, _D)

# --- scband reference (transcript-rebuilt; emitter-appended) ---
"""Pipeline reference for scband-embed-4432406249900 (READ-ONLY COPY).

The authoritative reference and input builder live on the scoring server;
editing this copy changes nothing except your own understanding.
"""

import jax, jax.numpy as jnp
import numpy as np

NUM_EMBEDDINGS = 1000000
FEATURES = 64

def setup_inputs(seed: int = 0) -> dict:
    key = jax.random.key(seed)
    k_tok, k_emb = jax.random.split(key)
    tokens = jax.random.randint(k_tok, (4096, 200), 0, NUM_EMBEDDINGS, dtype=jnp.int64 if jax.config.jax_enable_x64 else jnp.int32)
    embedding = jax.random.normal(k_emb, (NUM_EMBEDDINGS, FEATURES), dtype=jnp.float32) * 0.02
    return {"tokens": tokens, "embedding": embedding}

def reference(tokens, embedding):
    return jnp.take(embedding, tokens, axis=0)

if __name__ == "__main__":
    import jax
    _d = setup_inputs()
    print(jax.jit(kernel)(*tuple(_d.values())))

</pallas_src>

<mosaic_0001>
#map = affine_map<(d0, d1) -> (0, 0)>
module attributes {stable_mosaic.version = 14 : i64} {
  func.func @emb_kernel(%arg0: i32, %arg1: i32, %arg2: memref<200x4096xi32, #tpu.memory_space<hbm>>, %arg3: memref<1000000x64xf32, #tpu.memory_space<hbm>>, %arg4: memref<819200x128xf32, #tpu.memory_space<hbm>>, %arg5: memref<208x128xi32, #tpu.memory_space<vmem>>, %arg6: memref<128x208xi32, #tpu.memory_space<vmem>>, %arg7: memref<200x64xf32, #tpu.memory_space<vmem>>, %arg8: memref<200x64xf32, #tpu.memory_space<vmem>>, %arg9: memref<200x64xf32, #tpu.memory_space<vmem>>, %arg10: memref<200x64xf32, #tpu.memory_space<vmem>>, %arg11: memref<!tpu.dma_semaphore, #tpu.memory_space<semaphore_mem>>, %arg12: memref<!tpu.dma_semaphore, #tpu.memory_space<semaphore_mem>>, %arg13: memref<!tpu.dma_semaphore, #tpu.memory_space<semaphore_mem>>, %arg14: memref<!tpu.dma_semaphore, #tpu.memory_space<semaphore_mem>>, %arg15: memref<!tpu.dma_semaphore, #tpu.memory_space<semaphore_mem>>, %arg16: memref<!tpu.dma_semaphore, #tpu.memory_space<semaphore_mem>>, %arg17: memref<!tpu.dma_semaphore, #tpu.memory_space<semaphore_mem>>, %arg18: memref<!tpu.dma_semaphore, #tpu.memory_space<semaphore_mem>>, %arg19: memref<!tpu.dma_semaphore, #tpu.memory_space<semaphore_mem>>) attributes {dimension_semantics = [#tpu.dimension_semantics<core_parallel>, #tpu.dimension_semantics<subcore_parallel>], iteration_bounds = array<i64: 2, 16>, scalar_prefetch = 0 : i64, scratch_operands = 15 : i64, tpu.core_type = #tpu.core_type<sc_vector_subcore>, window_params = [{transform_indices = #map}, {transform_indices = #map}, {transform_indices = #map}]} {
    %mul3A = arith.constant 2 : i32
    %mul3A_0 = arith.muli %arg1, %mul3A : i32
    %add3A = arith.addi %mul3A_0, %arg0 : i32
    %mul3A_1 = arith.constant 128 : i32
    %mul3A_2 = arith.muli %add3A, %mul3A_1 : i32
    %dma_start3A = arith.constant 0 : i32
    %dma_start3A_3 = arith.constant 0 : i32
    %dma_start3A_4 = tpu.memref_slice %arg5[%dma_start3A, %dma_start3A_3] : memref<208x128xi32, #tpu.memory_space<vmem>> -> memref<200x128xi32, #tpu.memory_space<vmem>>
    %dma_start3A_5 = arith.constant 0 : i32
    %dma_start3A_6 = tpu.memref_slice %arg2[%dma_start3A_5, %mul3A_2] : memref<200x4096xi32, #tpu.memory_space<hbm>> -> memref<200x128xi32, #tpu.memory_space<hbm>>
    %dma_start3A_7 = arith.constant 0 : i32
    %dma_start3A_8 = arith.constant 0 : i32
    %dma_start3A_9 = tpu.memref_slice %arg5[%dma_start3A_7, %dma_start3A_8] : memref<208x128xi32, #tpu.memory_space<vmem>> -> memref<200x128xi32, #tpu.memory_space<vmem>>
    %dma_start3A_10 = arith.constant 0 : i32
    %dma_start3A_11 = tpu.memref_slice %arg2[%dma_start3A_10, %mul3A_2] : memref<200x4096xi32, #tpu.memory_space<hbm>> -> memref<200x128xi32, #tpu.memory_space<hbm>>
    tpu.enqueue_dma source(%dma_start3A_11 : memref<200x128xi32, #tpu.memory_space<hbm>>) target(%dma_start3A_9 : memref<200x128xi32, #tpu.memory_space<vmem>>) target_semaphore(%arg11 : memref<!tpu.dma_semaphore, #tpu.memory_space<semaphore_mem>>)
    %dma_wait3A = arith.constant 0 : i32
    %dma_wait3A_12 = arith.constant 0 : i32
    %dma_wait3A_13 = tpu.memref_slice %arg5[%dma_wait3A, %dma_wait3A_12] : memref<208x128xi32, #tpu.memory_space<vmem>> -> memref<200x128xi32, #tpu.memory_space<vmem>>
    %dma_wait3A_14 = arith.constant 0 : i32
    %dma_wait3A_15 = tpu.memref_slice %arg2[%dma_wait3A_14, %mul3A_2] : memref<200x4096xi32, #tpu.memory_space<hbm>> -> memref<200x128xi32, #tpu.memory_space<hbm>>
    %dma_wait3A_16 = arith.constant 0 : i32
    %dma_wait3A_17 = arith.constant 0 : i32
    %dma_wait3A_18 = tpu.memref_slice %arg5[%dma_wait3A_16, %dma_wait3A_17] : memref<208x128xi32, #tpu.memory_space<vmem>> -> memref<200x128xi32, #tpu.memory_space<vmem>>
    %dma_wait3A_19 = arith.constant 0 : i32
    %dma_wait3A_20 = tpu.memref_slice %arg2[%dma_wait3A_19, %mul3A_2] : memref<200x4096xi32, #tpu.memory_space<hbm>> -> memref<200x128xi32, #tpu.memory_space<hbm>>
    tpu.wait_dma2 semaphore(%arg11 : memref<!tpu.dma_semaphore, #tpu.memory_space<semaphore_mem>>) src(%dma_wait3A_20 : memref<200x128xi32, #tpu.memory_space<hbm>>) dst(%dma_wait3A_18 : memref<200x128xi32, #tpu.memory_space<vmem>>)
    %iota3A = tpu.iota {dimensions = array<i32: 0>} : vector<16xi32>
    %add3A_21 = arith.constant 0 : i32
    %add3A_22 = vector.broadcast %add3A_21 : i32 to vector<16xi32>
    %add3A_23 = arith.addi %iota3A, %add3A_22 : vector<16xi32>
    %add3A_24 = arith.constant 16 : i32
    %add3A_25 = vector.broadcast %add3A_24 : i32 to vector<16xi32>
    %add3A_26 = arith.addi %iota3A, %add3A_25 : vector<16xi32>
    %add3A_27 = arith.constant 32 : i32
    %add3A_28 = vector.broadcast %add3A_27 : i32 to vector<16xi32>
    %add3A_29 = arith.addi %iota3A, %add3A_28 : vector<16xi32>
    %add3A_30 = arith.constant 48 : i32
    %add3A_31 = vector.broadcast %add3A_30 : i32 to vector<16xi32>
    %add3A_32 = arith.addi %iota3A, %add3A_31 : vector<16xi32>
    %add3A_33 = arith.constant 64 : i32
    %add3A_34 = vector.broadcast %add3A_33 : i32 to vector<16xi32>
    %add3A_35 = arith.addi %iota3A, %add3A_34 : vector<16xi32>
    %add3A_36 = arith.constant 80 : i32
    %add3A_37 = vector.broadcast %add3A_36 : i32 to vector<16xi32>
    %add3A_38 = arith.addi %iota3A, %add3A_37 : vector<16xi32>
    %add3A_39 = arith.constant 96 : i32
    %add3A_40 = vector.broadcast %add3A_39 : i32 to vector<16xi32>
    %add3A_41 = arith.addi %iota3A, %add3A_40 : vector<16xi32>
    %add3A_42 = arith.constant 112 : i32
    %add3A_43 = vector.broadcast %add3A_42 : i32 to vector<16xi32>
    %add3A_44 = arith.addi %iota3A, %add3A_43 : vector<16xi32>
    %add3A_45 = arith.constant 128 : i32
    %add3A_46 = vector.broadcast %add3A_45 : i32 to vector<16xi32>
    %add3A_47 = arith.addi %iota3A, %add3A_46 : vector<16xi32>
    %add3A_48 = arith.constant 144 : i32
    %add3A_49 = vector.broadcast %add3A_48 : i32 to vector<16xi32>
    %add3A_50 = arith.addi %iota3A, %add3A_49 : vector<16xi32>
    %add3A_51 = arith.constant 160 : i32
    %add3A_52 = vector.broadcast %add3A_51 : i32 to vector<16xi32>
    %add3A_53 = arith.addi %iota3A, %add3A_52 : vector<16xi32>
    %add3A_54 = arith.constant 176 : i32
    %add3A_55 = vector.broadcast %add3A_54 : i32 to vector<16xi32>
    %add3A_56 = arith.addi %iota3A, %add3A_55 : vector<16xi32>
    %add3A_57 = arith.constant 192 : i32
    %add3A_58 = vector.broadcast %add3A_57 : i32 to vector<16xi32>
    %add3A_59 = arith.addi %iota3A, %add3A_58 : vector<16xi32>
    %scan3A = arith.constant 0 : i32
    %scan3A_60 = arith.constant 0 : i32
    %scan3A_61 = arith.constant 128 : i32
    %scan3A_62 = arith.addi %scan3A_60, %scan3A_61 : i32
    %scan3A_63 = arith.constant 1 : i32
    scf.for %scan3A_143 = %scan3A_60 to %scan3A_62 step %scan3A_63  : i32 {
      %jit3A = arith.constant 16 : i32
      %div3A = arith.divsi %scan3A_143, %jit3A : i32
      %sign3A = arith.constant 0 : i32
      %sign3A_144 = arith.cmpi sgt, %scan3A_143, %sign3A : i32
      %sign3A_145 = arith.extui %sign3A_144 : i1 to i32
      %sign3A_146 = arith.constant 0 : i32
      %sign3A_147 = arith.cmpi slt, %scan3A_143, %sign3A_146 : i32
      %sign3A_148 = arith.extui %sign3A_147 : i1 to i32
      %sign3A_149 = arith.subi %sign3A_145, %sign3A_148 : i32
      %sign3A_150 = arith.constant 0 : i32
      %sign3A_151 = arith.cmpi sgt, %jit3A, %sign3A_150 : i32
      %sign3A_152 = arith.extui %sign3A_151 : i1 to i32
      %sign3A_153 = arith.constant 0 : i32
      %sign3A_154 = arith.cmpi slt, %jit3A, %sign3A_153 : i32
      %sign3A_155 = arith.extui %sign3A_154 : i1 to i32
      %sign3A_156 = arith.subi %sign3A_152, %sign3A_155 : i32
      %ne3A = arith.cmpi ne, %sign3A_149, %sign3A_156 : i32
      %rem3A = arith.remsi %scan3A_143, %jit3A : i32
      %ne3A_157 = arith.constant 0 : i32
      %ne3A_158 = arith.cmpi ne, %rem3A, %ne3A_157 : i32
      %and3A = arith.andi %ne3A, %ne3A_158 : i1
      %sub3A = arith.constant 1 : i32
      %sub3A_159 = arith.subi %div3A, %sub3A : i32
      %select_n3A = arith.select %and3A, %sub3A_159, %div3A : i32
      %mul3A_160 = arith.constant 16 : i32
      %mul3A_161 = arith.muli %select_n3A, %mul3A_160 : i32
      %jit3A_162 = arith.constant 16 : i32
      %eq3A = arith.constant 0 : i32
      %eq3A_163 = arith.cmpi eq, %jit3A_162, %eq3A : i32
      %jit3A_164 = arith.constant 1 : i32
      %select_n3A_165 = arith.select %eq3A_163, %jit3A_164, %jit3A_162 : i32
      %rem3A_166 = arith.remsi %scan3A_143, %select_n3A_165 : i32
      %ne3A_167 = arith.constant 0 : i32
      %ne3A_168 = arith.cmpi ne, %rem3A_166, %ne3A_167 : i32
      %lt3A = arith.constant 0 : i32
      %lt3A_169 = arith.cmpi slt, %rem3A_166, %lt3A : i32
      %lt3A_170 = arith.constant 0 : i32
      %lt3A_171 = arith.cmpi slt, %select_n3A_165, %lt3A_170 : i32
      %ne3A_172 = arith.xori %lt3A_169, %lt3A_171 : i1
      %and3A_173 = arith.andi %ne3A_172, %ne3A_168 : i1
      %add3A_174 = arith.addi %rem3A_166, %select_n3A_165 : i32
      %select_n3A_175 = arith.select %and3A_173, %add3A_174, %rem3A_166 : i32
      %add3A_176 = vector.broadcast %select_n3A_175 : i32 to vector<16xi32>
      %add3A_177 = arith.addi %add3A_176, %iota3A : vector<16xi32>
      %jit3A_178 = arith.constant 16 : i32
      %eq3A_179 = arith.constant 0 : i32
      %eq3A_180 = arith.cmpi eq, %jit3A_178, %eq3A_179 : i32
      %jit3A_181 = arith.constant 1 : i32
      %select_n3A_182 = arith.select %eq3A_180, %jit3A_181, %jit3A_178 : i32
      %rem3A_183 = vector.broadcast %select_n3A_182 : i32 to vector<16xi32>
      %rem3A_184 = arith.remsi %add3A_177, %rem3A_183 : vector<16xi32>
      %ne3A_185 = arith.constant 0 : i32
      %ne3A_186 = vector.broadcast %ne3A_185 : i32 to vector<16xi32>
      %ne3A_187 = arith.cmpi ne, %rem3A_184, %ne3A_186 : vector<16xi32>
      %lt3A_188 = arith.constant 0 : i32
      %lt3A_189 = vector.broadcast %lt3A_188 : i32 to vector<16xi32>
      %lt3A_190 = arith.cmpi slt, %rem3A_184, %lt3A_189 : vector<16xi32>
      %lt3A_191 = arith.constant 0 : i32
      %lt3A_192 = arith.cmpi slt, %select_n3A_182, %lt3A_191 : i32
      %ne3A_193 = vector.broadcast %lt3A_192 : i1 to vector<16xi1>
      %ne3A_194 = vector.broadcast %ne3A_193 : vector<16xi1> to vector<16xi1>
      %ne3A_195 = arith.xori %lt3A_190, %ne3A_194 : vector<16xi1>
      %and3A_196 = arith.andi %ne3A_195, %ne3A_187 : vector<16xi1>
      %add3A_197 = vector.broadcast %select_n3A_182 : i32 to vector<16xi32>
      %add3A_198 = arith.addi %rem3A_184, %add3A_197 : vector<16xi32>
      %select_n3A_199 = arith.select %and3A_196, %add3A_198, %rem3A_184 : vector<16xi1>, vector<16xi32>
      %add3A_200 = vector.broadcast %mul3A_161 : i32 to vector<16xi32>
      %add3A_201 = arith.addi %add3A_200, %select_n3A_199 : vector<16xi32>
      %gather3A = tpu.vector_load_idx %arg5[%add3A_23, %add3A_201] : memref<208x128xi32, #tpu.memory_space<vmem>>[vector<16xi32>, vector<16xi32>], vector<16xi32>,
      tpu.vector_store_idx %arg6[%add3A_201, %add3A_23], %gather3A : memref<128x208xi32, #tpu.memory_space<vmem>>[vector<16xi32>, vector<16xi32>], vector<16xi32>,
      %gather3A_202 = tpu.vector_load_idx %arg5[%add3A_26, %add3A_201] : memref<208x128xi32, #tpu.memory_space<vmem>>[vector<16xi32>, vector<16xi32>], vector<16xi32>,
      tpu.vector_store_idx %arg6[%add3A_201, %add3A_26], %gather3A_202 : memref<128x208xi32, #tpu.memory_space<vmem>>[vector<16xi32>, vector<16xi32>], vector<16xi32>,
      %gather3A_203 = tpu.vector_load_idx %arg5[%add3A_29, %add3A_201] : memref<208x128xi32, #tpu.memory_space<vmem>>[vector<16xi32>, vector<16xi32>], vector<16xi32>,
      tpu.vector_store_idx %arg6[%add3A_201, %add3A_29], %gather3A_203 : memref<128x208xi32, #tpu.memory_space<vmem>>[vector<16xi32>, vector<16xi32>], vector<16xi32>,
      %gather3A_204 = tpu.vector_load_idx %arg5[%add3A_32, %add3A_201] : memref<208x128xi32, #tpu.memory_space<vmem>>[vector<16xi32>, vector<16xi32>], vector<16xi32>,
      tpu.vector_store_idx %arg6[%add3A_201, %add3A_32], %gather3A_204 : memref<128x208xi32, #tpu.memory_space<vmem>>[vector<16xi32>, vector<16xi32>], vector<16xi32>,
      %gather3A_205 = tpu.vector_load_idx %arg5[%add3A_35, %add3A_201] : memref<208x128xi32, #tpu.memory_space<vmem>>[vector<16xi32>, vector<16xi32>], vector<16xi32>,
      tpu.vector_store_idx %arg6[%add3A_201, %add3A_35], %gather3A_205 : memref<128x208xi32, #tpu.memory_space<vmem>>[vector<16xi32>, vector<16xi32>], vector<16xi32>,
      %gather3A_206 = tpu.vector_load_idx %arg5[%add3A_38, %add3A_201] : memref<208x128xi32, #tpu.memory_space<vmem>>[vector<16xi32>, vector<16xi32>], vector<16xi32>,
      tpu.vector_store_idx %arg6[%add3A_201, %add3A_38], %gather3A_206 : memref<128x208xi32, #tpu.memory_space<vmem>>[vector<16xi32>, vector<16xi32>], vector<16xi32>,
      %gather3A_207 = tpu.vector_load_idx %arg5[%add3A_41, %add3A_201] : memref<208x128xi32, #tpu.memory_space<vmem>>[vector<16xi32>, vector<16xi32>], vector<16xi32>,
      tpu.vector_store_idx %arg6[%add3A_201, %add3A_41], %gather3A_207 : memref<128x208xi32, #tpu.memory_space<vmem>>[vector<16xi32>, vector<16xi32>], vector<16xi32>,
      %gather3A_208 = tpu.vector_load_idx %arg5[%add3A_44, %add3A_201] : memref<208x128xi32, #tpu.memory_space<vmem>>[vector<16xi32>, vector<16xi32>], vector<16xi32>,
      tpu.vector_store_idx %arg6[%add3A_201, %add3A_44], %gather3A_208 : memref<128x208xi32, #tpu.memory_space<vmem>>[vector<16xi32>, vector<16xi32>], vector<16xi32>,
      %gather3A_209 = tpu.vector_load_idx %arg5[%add3A_47, %add3A_201] : memref<208x128xi32, #tpu.memory_space<vmem>>[vector<16xi32>, vector<16xi32>], vector<16xi32>,
      tpu.vector_store_idx %arg6[%add3A_201, %add3A_47], %gather3A_209 : memref<128x208xi32, #tpu.memory_space<vmem>>[vector<16xi32>, vector<16xi32>], vector<16xi32>,
      %gather3A_210 = tpu.vector_load_idx %arg5[%add3A_50, %add3A_201] : memref<208x128xi32, #tpu.memory_space<vmem>>[vector<16xi32>, vector<16xi32>], vector<16xi32>,
      tpu.vector_store_idx %arg6[%add3A_201, %add3A_50], %gather3A_210 : memref<128x208xi32, #tpu.memory_space<vmem>>[vector<16xi32>, vector<16xi32>], vector<16xi32>,
      %gather3A_211 = tpu.vector_load_idx %arg5[%add3A_53, %add3A_201] : memref<208x128xi32, #tpu.memory_space<vmem>>[vector<16xi32>, vector<16xi32>], vector<16xi32>,
      tpu.vector_store_idx %arg6[%add3A_201, %add3A_53], %gather3A_211 : memref<128x208xi32, #tpu.memory_space<vmem>>[vector<16xi32>, vector<16xi32>], vector<16xi32>,
      %gather3A_212 = tpu.vector_load_idx %arg5[%add3A_56, %add3A_201] : memref<208x128xi32, #tpu.memory_space<vmem>>[vector<16xi32>, vector<16xi32>], vector<16xi32>,
      tpu.vector_store_idx %arg6[%add3A_201, %add3A_56], %gather3A_212 : memref<128x208xi32, #tpu.memory_space<vmem>>[vector<16xi32>, vector<16xi32>], vector<16xi32>,
      %gather3A_213 = tpu.vector_load_idx %arg5[%add3A_59, %add3A_201] : memref<208x128xi32, #tpu.memory_space<vmem>>[vector<16xi32>, vector<16xi32>], vector<16xi32>,
      tpu.vector_store_idx %arg6[%add3A_201, %add3A_59], %gather3A_213 : memref<128x208xi32, #tpu.memory_space<vmem>>[vector<16xi32>, vector<16xi32>], vector<16xi32>,
    }
    %scan3A_64 = arith.constant 128 : i32
    %dma_start3A_65 = arith.constant 0 : i32
    %dma_start3A_66 = arith.constant 0 : i32
    %dma_start3A_67 = arith.constant 0 : i32
    %dma_start3A_68 = tpu.memref_slice %arg7[%dma_start3A_66, %dma_start3A_67] : memref<200x64xf32, #tpu.memory_space<vmem>> -> memref<104x64xf32, #tpu.memory_space<vmem>>
    %dma_start3A_69 = arith.constant 0 : i32
    %dma_start3A_70 = tpu.memref_slice %arg6[%dma_start3A_65, %dma_start3A_69] : memref<128x208xi32, #tpu.memory_space<vmem>> -> memref<1x104xi32, #tpu.memory_space<vmem>>
    %dma_start3A_71 = tpu.memref_squeeze %dma_start3A_70 : memref<1x104xi32, #tpu.memory_space<vmem>> -> memref<104xi32, #tpu.memory_space<vmem>>
    %dma_start3A_72 = arith.constant 0 : i32
    %dma_start3A_73 = arith.constant 0 : i32
    %dma_start3A_74 = tpu.memref_slice %arg3[%dma_start3A_72, %dma_start3A_73] : memref<1000000x64xf32, #tpu.memory_space<hbm>> -> memref<1000000x64xf32, #tpu.memory_space<hbm>>
    tpu.enqueue_indirect_dma source(%dma_start3A_74 : memref<1000000x64xf32, #tpu.memory_space<hbm>>) target(%dma_start3A_68 : memref<104x64xf32, #tpu.memory_space<vmem>>) offsets(%dma_start3A_71 : memref<104xi32, #tpu.memory_space<vmem>>) semaphore(%arg12 : memref<!tpu.dma_semaphore, #tpu.memory_space<semaphore_mem>>)
    %dma_start3A_75 = arith.constant 0 : i32
    %dma_start3A_76 = arith.constant 104 : i32
    %dma_start3A_77 = arith.constant 0 : i32
    %dma_start3A_78 = tpu.memref_slice %arg7[%dma_start3A_76, %dma_start3A_77] : memref<200x64xf32, #tpu.memory_space<vmem>> -> memref<96x64xf32, #tpu.memory_space<vmem>>
    %dma_start3A_79 = arith.constant 104 : i32
    %dma_start3A_80 = tpu.memref_slice %arg6[%dma_start3A_75, %dma_start3A_79] : memref<128x208xi32, #tpu.memory_space<vmem>> -> memref<1x96xi32, #tpu.memory_space<vmem>>
    %dma_start3A_81 = tpu.memref_squeeze %dma_start3A_80 : memref<1x96xi32, #tpu.memory_space<vmem>> -> memref<96xi32, #tpu.memory_space<vmem>>
    %dma_start3A_82 = arith.constant 0 : i32
    %dma_start3A_83 = arith.constant 0 : i32
    %dma_start3A_84 = tpu.memref_slice %arg3[%dma_start3A_82, %dma_start3A_83] : memref<1000000x64xf32, #tpu.memory_space<hbm>> -> memref<1000000x64xf32, #tpu.memory_space<hbm>>
    tpu.enqueue_indirect_dma source(%dma_start3A_84 : memref<1000000x64xf32, #tpu.memory_space<hbm>>) target(%dma_start3A_78 : memref<96x64xf32, #tpu.memory_space<vmem>>) offsets(%dma_start3A_81 : memref<96xi32, #tpu.memory_space<vmem>>) semaphore(%arg12 : memref<!tpu.dma_semaphore, #tpu.memory_space<semaphore_mem>>)
    %dma_start3A_85 = arith.constant 1 : i32
    %dma_start3A_86 = arith.constant 0 : i32
    %dma_start3A_87 = arith.constant 0 : i32
    %dma_start3A_88 = tpu.memref_slice %arg8[%dma_start3A_86, %dma_start3A_87] : memref<200x64xf32, #tpu.memory_space<vmem>> -> memref<104x64xf32, #tpu.memory_space<vmem>>
    %dma_start3A_89 = arith.constant 0 : i32
    %dma_start3A_90 = tpu.memref_slice %arg6[%dma_start3A_85, %dma_start3A_89] : memref<128x208xi32, #tpu.memory_space<vmem>> -> memref<1x104xi32, #tpu.memory_space<vmem>>
    %dma_start3A_91 = tpu.memref_squeeze %dma_start3A_90 : memref<1x104xi32, #tpu.memory_space<vmem>> -> memref<104xi32, #tpu.memory_space<vmem>>
    %dma_start3A_92 = arith.constant 0 : i32
    %dma_start3A_93 = arith.constant 0 : i32
    %dma_start3A_94 = tpu.memref_slice %arg3[%dma_start3A_92, %dma_start3A_93] : memref<1000000x64xf32, #tpu.memory_space<hbm>> -> memref<1000000x64xf32, #tpu.memory_space<hbm>>
    tpu.enqueue_indirect_dma source(%dma_start3A_94 : memref<1000000x64xf32, #tpu.memory_space<hbm>>) target(%dma_start3A_88 : memref<104x64xf32, #tpu.memory_space<vmem>>) offsets(%dma_start3A_91 : memref<104xi32, #tpu.memory_space<vmem>>) semaphore(%arg13 : memref<!tpu.dma_semaphore, #tpu.memory_space<semaphore_mem>>)
    %dma_start3A_95 = arith.constant 1 : i32
    %dma_start3A_96 = arith.constant 104 : i32
    %dma_start3A_97 = arith.constant 0 : i32
    %dma_start3A_98 = tpu.memref_slice %arg8[%dma_start3A_96, %dma_start3A_97] : memref<200x64xf32, #tpu.memory_space<vmem>> -> memref<96x64xf32, #tpu.memory_space<vmem>>
    %dma_start3A_99 = arith.constant 104 : i32
    %dma_start3A_100 = tpu.memref_slice %arg6[%dma_start3A_95, %dma_start3A_99] : memref<128x208xi32, #tpu.memory_space<vmem>> -> memref<1x96xi32, #tpu.memory_space<vmem>>
    %dma_start3A_101 = tpu.memref_squeeze %dma_start3A_100 : memref<1x96xi32, #tpu.memory_space<vmem>> -> memref<96xi32, #tpu.memory_space<vmem>>
    %dma_start3A_102 = arith.constant 0 : i32
    %dma_start3A_103 = arith.constant 0 : i32
    %dma_start3A_104 = tpu.memref_slice %arg3[%dma_start3A_102, %dma_start3A_103] : memref<1000000x64xf32, #tpu.memory_space<hbm>> -> memref<1000000x64xf32, #tpu.memory_space<hbm>>
    tpu.enqueue_indirect_dma source(%dma_start3A_104 : memref<1000000x64xf32, #tpu.memory_space<hbm>>) target(%dma_start3A_98 : memref<96x64xf32, #tpu.memory_space<vmem>>) offsets(%dma_start3A_101 : memref<96xi32, #tpu.memory_space<vmem>>) semaphore(%arg13 : memref<!tpu.dma_semaphore, #tpu.memory_space<semaphore_mem>>)
    %scan3A_105 = arith.constant 0 : i32
    %scan3A_106 = arith.constant 0 : i32
    %scan3A_107 = arith.constant 32 : i32
    %scan3A_108 = arith.addi %scan3A_106, %scan3A_107 : i32
    %scan3A_109 = arith.constant 1 : i32
    scf.for %scan3A_143 = %scan3A_106 to %scan3A_108 step %scan3A_109  : i32 {
      %mul3A_144 = arith.constant 4 : i32
      %mul3A_145 = arith.muli %scan3A_143, %mul3A_144 : i32
      %add3A_146 = arith.constant 0 : i32
      %add3A_147 = arith.addi %mul3A_145, %add3A_146 : i32
      %dma_wait3A_148 = arith.constant 0 : i32
      %dma_wait3A_149 = arith.constant 0 : i32
      %dma_wait3A_150 = tpu.memref_slice %arg7[%dma_wait3A_148, %dma_wait3A_149] : memref<200x64xf32, #tpu.memory_space<vmem>> -> memref<104x64xf32, #tpu.memory_space<vmem>>
      %dma_wait3A_151 = arith.constant 0 : i32
      %dma_wait3A_152 = tpu.memref_slice %arg6[%add3A_147, %dma_wait3A_151] : memref<128x208xi32, #tpu.memory_space<vmem>> -> memref<1x104xi32, #tpu.memory_space<vmem>>
      %dma_wait3A_153 = tpu.memref_squeeze %dma_wait3A_152 : memref<1x104xi32, #tpu.memory_space<vmem>> -> memref<104xi32, #tpu.memory_space<vmem>>
      %dma_wait3A_154 = arith.constant 0 : i32
      %dma_wait3A_155 = arith.constant 0 : i32
      %dma_wait3A_156 = tpu.memref_slice %arg3[%dma_wait3A_154, %dma_wait3A_155] : memref<1000000x64xf32, #tpu.memory_space<hbm>> -> memref<1000000x64xf32, #tpu.memory_space<hbm>>
      tpu.wait_indirect_dma semaphore(%arg12 : memref<!tpu.dma_semaphore, #tpu.memory_space<semaphore_mem>>) src(%dma_wait3A_156 : memref<1000000x64xf32, #tpu.memory_space<hbm>>) dst(%dma_wait3A_150 : memref<104x64xf32, #tpu.memory_space<vmem>>)
      %dma_wait3A_157 = arith.constant 104 : i32
      %dma_wait3A_158 = arith.constant 0 : i32
      %dma_wait3A_159 = tpu.memref_slice %arg7[%dma_wait3A_157, %dma_wait3A_158] : memref<200x64xf32, #tpu.memory_space<vmem>> -> memref<96x64xf32, #tpu.memory_space<vmem>>
      %dma_wait3A_160 = arith.constant 104 : i32
      %dma_wait3A_161 = tpu.memref_slice %arg6[%add3A_147, %dma_wait3A_160] : memref<128x208xi32, #tpu.memory_space<vmem>> -> memref<1x96xi32, #tpu.memory_space<vmem>>
      %dma_wait3A_162 = tpu.memref_squeeze %dma_wait3A_161 : memref<1x96xi32, #tpu.memory_space<vmem>> -> memref<96xi32, #tpu.memory_space<vmem>>
      %dma_wait3A_163 = arith.constant 0 : i32
      %dma_wait3A_164 = arith.constant 0 : i32
      %dma_wait3A_165 = tpu.memref_slice %arg3[%dma_wait3A_163, %dma_wait3A_164] : memref<1000000x64xf32, #tpu.memory_space<hbm>> -> memref<1000000x64xf32, #tpu.memory_space<hbm>>
      tpu.wait_indirect_dma semaphore(%arg12 : memref<!tpu.dma_semaphore, #tpu.memory_space<semaphore_mem>>) src(%dma_wait3A_165 : memref<1000000x64xf32, #tpu.memory_space<hbm>>) dst(%dma_wait3A_159 : memref<96x64xf32, #tpu.memory_space<vmem>>)
      %add3A_166 = arith.addi %mul3A_2, %add3A_147 : i32
      %mul3A_167 = arith.constant 200 : i32
      %mul3A_168 = arith.muli %add3A_166, %mul3A_167 : i32
      %dma_start3A_169 = arith.constant 0 : i32
      %dma_start3A_170 = tpu.memref_slice %arg4[%mul3A_168, %dma_start3A_169] : memref<819200x128xf32, #tpu.memory_space<hbm>> -> memref<200x64xf32, #tpu.memory_space<hbm>>
      %dma_start3A_171 = arith.constant 0 : i32
      %dma_start3A_172 = tpu.memref_slice %arg4[%mul3A_168, %dma_start3A_171] : memref<819200x128xf32, #tpu.memory_space<hbm>> -> memref<200x64xf32, #tpu.memory_space<hbm>>
      tpu.enqueue_dma source(%arg7 : memref<200x64xf32, #tpu.memory_space<vmem>>) target(%dma_start3A_172 : memref<200x64xf32, #tpu.memory_space<hbm>>) target_semaphore(%arg16 : memref<!tpu.dma_semaphore, #tpu.memory_space<semaphore_mem>>)
      %add3A_173 = arith.constant 2 : i32
      %add3A_174 = arith.addi %add3A_147, %add3A_173 : i32
      %lt3A = arith.constant 128 : i32
      %lt3A_175 = arith.cmpi slt, %add3A_174, %lt3A : i32
      %convert_element_type3A = arith.extui %lt3A_175 : i1 to i32
      %cond3A = arith.constant 0 : i32
      %cond3A_176 = arith.cmpi ne, %convert_element_type3A, %cond3A : i32
      scf.if %cond3A_176 {
        %ge3A = arith.constant 4 : i32
        %ge3A_285 = arith.cmpi sge, %add3A_174, %ge3A : i32
        %convert_element_type3A_286 = arith.extui %ge3A_285 : i1 to i32
        %cond3A_287 = arith.constant 0 : i32
        %cond3A_288 = arith.cmpi ne, %convert_element_type3A_286, %cond3A_287 : i32
        scf.if %cond3A_288 {
          %sub3A = arith.constant 4 : i32
          %sub3A_307 = arith.subi %add3A_174, %sub3A : i32
          %add3A_308 = arith.addi %mul3A_2, %sub3A_307 : i32
          %mul3A_309 = arith.constant 200 : i32
          %mul3A_310 = arith.muli %add3A_308, %mul3A_309 : i32
          %dma_wait3A_311 = arith.constant 0 : i32
          %dma_wait3A_312 = tpu.memref_slice %arg4[%mul3A_310, %dma_wait3A_311] : memref<819200x128xf32, #tpu.memory_space<hbm>> -> memref<200x64xf32, #tpu.memory_space<hbm>>
          %dma_wait3A_313 = arith.constant 0 : i32
          %dma_wait3A_314 = tpu.memref_slice %arg4[%mul3A_310, %dma_wait3A_313] : memref<819200x128xf32, #tpu.memory_space<hbm>> -> memref<200x64xf32, #tpu.memory_space<hbm>>
          tpu.wait_dma2 semaphore(%arg18 : memref<!tpu.dma_semaphore, #tpu.memory_space<semaphore_mem>>) src(%arg9 : memref<200x64xf32, #tpu.memory_space<vmem>>) dst(%dma_wait3A_314 : memref<200x64xf32, #tpu.memory_space<hbm>>)
        } else {
        }
        %dma_start3A_289 = arith.constant 0 : i32
        %dma_start3A_290 = arith.constant 0 : i32
        %dma_start3A_291 = tpu.memref_slice %arg9[%dma_start3A_289, %dma_start3A_290] : memref<200x64xf32, #tpu.memory_space<vmem>> -> memref<104x64xf32, #tpu.memory_space<vmem>>
        %dma_start3A_292 = arith.constant 0 : i32
        %dma_start3A_293 = tpu.memref_slice %arg6[%add3A_174, %dma_start3A_292] : memref<128x208xi32, #tpu.memory_space<vmem>> -> memref<1x104xi32, #tpu.memory_space<vmem>>
        %dma_start3A_294 = tpu.memref_squeeze %dma_start3A_293 : memref<1x104xi32, #tpu.memory_space<vmem>> -> memref<104xi32, #tpu.memory_space<vmem>>
        %dma_start3A_295 = arith.constant 0 : i32
        %dma_start3A_296 = arith.constant 0 : i32
        %dma_start3A_297 = tpu.memref_slice %arg3[%dma_start3A_295, %dma_start3A_296] : memref<1000000x64xf32, #tpu.memory_space<hbm>> -> memref<1000000x64xf32, #tpu.memory_space<hbm>>
        tpu.enqueue_indirect_dma source(%dma_start3A_297 : memref<1000000x64xf32, #tpu.memory_space<hbm>>) target(%dma_start3A_291 : memref<104x64xf32, #tpu.memory_space<vmem>>) offsets(%dma_start3A_294 : memref<104xi32, #tpu.memory_space<vmem>>) semaphore(%arg14 : memref<!tpu.dma_semaphore, #tpu.memory_space<semaphore_mem>>)
        %dma_start3A_298 = arith.constant 104 : i32
        %dma_start3A_299 = arith.constant 0 : i32
        %dma_start3A_300 = tpu.memref_slice %arg9[%dma_start3A_298, %dma_start3A_299] : memref<200x64xf32, #tpu.memory_space<vmem>> -> memref<96x64xf32, #tpu.memory_space<vmem>>
        %dma_start3A_301 = arith.constant 104 : i32
        %dma_start3A_302 = tpu.memref_slice %arg6[%add3A_174, %dma_start3A_301] : memref<128x208xi32, #tpu.memory_space<vmem>> -> memref<1x96xi32, #tpu.memory_space<vmem>>
        %dma_start3A_303 = tpu.memref_squeeze %dma_start3A_302 : memref<1x96xi32, #tpu.memory_space<vmem>> -> memref<96xi32, #tpu.memory_space<vmem>>
        %dma_start3A_304 = arith.constant 0 : i32
        %dma_start3A_305 = arith.constant 0 : i32
        %dma_start3A_306 = tpu.memref_slice %arg3[%dma_start3A_304, %dma_start3A_305] : memref<1000000x64xf32, #tpu.memory_space<hbm>> -> memref<1000000x64xf32, #tpu.memory_space<hbm>>
        tpu.enqueue_indirect_dma source(%dma_start3A_306 : memref<1000000x64xf32, #tpu.memory_space<hbm>>) target(%dma_start3A_300 : memref<96x64xf32, #tpu.memory_space<vmem>>) offsets(%dma_start3A_303 : memref<96xi32, #tpu.memory_space<vmem>>) semaphore(%arg14 : memref<!tpu.dma_semaphore, #tpu.memory_space<semaphore_mem>>)
      } else {
      }
      %mul3A_177 = arith.constant 4 : i32
      %mul3A_178 = arith.muli %scan3A_143, %mul3A_177 : i32
      %add3A_179 = arith.constant 1 : i32
      %add3A_180 = arith.addi %mul3A_178, %add3A_179 : i32
      %dma_wait3A_181 = arith.constant 0 : i32
      %dma_wait3A_182 = arith.constant 0 : i32
      %dma_wait3A_183 = tpu.memref_slice %arg8[%dma_wait3A_181, %dma_wait3A_182] : memref<200x64xf32, #tpu.memory_space<vmem>> -> memref<104x64xf32, #tpu.memory_space<vmem>>
      %dma_wait3A_184 = arith.constant 0 : i32
      %dma_wait3A_185 = tpu.memref_slice %arg6[%add3A_180, %dma_wait3A_184] : memref<128x208xi32, #tpu.memory_space<vmem>> -> memref<1x104xi32, #tpu.memory_space<vmem>>
      %dma_wait3A_186 = tpu.memref_squeeze %dma_wait3A_185 : memref<1x104xi32, #tpu.memory_space<vmem>> -> memref<104xi32, #tpu.memory_space<vmem>>
      %dma_wait3A_187 = arith.constant 0 : i32
      %dma_wait3A_188 = arith.constant 0 : i32
      %dma_wait3A_189 = tpu.memref_slice %arg3[%dma_wait3A_187, %dma_wait3A_188] : memref<1000000x64xf32, #tpu.memory_space<hbm>> -> memref<1000000x64xf32, #tpu.memory_space<hbm>>
      tpu.wait_indirect_dma semaphore(%arg13 : memref<!tpu.dma_semaphore, #tpu.memory_space<semaphore_mem>>) src(%dma_wait3A_189 : memref<1000000x64xf32, #tpu.memory_space<hbm>>) dst(%dma_wait3A_183 : memref<104x64xf32, #tpu.memory_space<vmem>>)
      %dma_wait3A_190 = arith.constant 104 : i32
      %dma_wait3A_191 = arith.constant 0 : i32
      %dma_wait3A_192 = tpu.memref_slice %arg8[%dma_wait3A_190, %dma_wait3A_191] : memref<200x64xf32, #tpu.memory_space<vmem>> -> memref<96x64xf32, #tpu.memory_space<vmem>>
      %dma_wait3A_193 = arith.constant 104 : i32
      %dma_wait3A_194 = tpu.memref_slice %arg6[%add3A_180, %dma_wait3A_193] : memref<128x208xi32, #tpu.memory_space<vmem>> -> memref<1x96xi32, #tpu.memory_space<vmem>>
      %dma_wait3A_195 = tpu.memref_squeeze %dma_wait3A_194 : memref<1x96xi32, #tpu.memory_space<vmem>> -> memref<96xi32, #tpu.memory_space<vmem>>
      %dma_wait3A_196 = arith.constant 0 : i32
      %dma_wait3A_197 = arith.constant 0 : i32
      %dma_wait3A_198 = tpu.memref_slice %arg3[%dma_wait3A_196, %dma_wait3A_197] : memref<1000000x64xf32, #tpu.memory_space<hbm>> -> memref<1000000x64xf32, #tpu.memory_space<hbm>>
      tpu.wait_indirect_dma semaphore(%arg13 : memref<!tpu.dma_semaphore, #tpu.memory_space<semaphore_mem>>) src(%dma_wait3A_198 : memref<1000000x64xf32, #tpu.memory_space<hbm>>) dst(%dma_wait3A_192 : memref<96x64xf32, #tpu.memory_space<vmem>>)
      %add3A_199 = arith.addi %mul3A_2, %add3A_180 : i32
      %mul3A_200 = arith.constant 200 : i32
      %mul3A_201 = arith.muli %add3A_199, %mul3A_200 : i32
      %dma_start3A_202 = arith.constant 0 : i32
      %dma_start3A_203 = tpu.memref_slice %arg4[%mul3A_201, %dma_start3A_202] : memref<819200x128xf32, #tpu.memory_space<hbm>> -> memref<200x64xf32, #tpu.memory_space<hbm>>
      %dma_start3A_204 = arith.constant 0 : i32
      %dma_start3A_205 = tpu.memref_slice %arg4[%mul3A_201, %dma_start3A_204] : memref<819200x128xf32, #tpu.memory_space<hbm>> -> memref<200x64xf32, #tpu.memory_space<hbm>>
      tpu.enqueue_dma source(%arg8 : memref<200x64xf32, #tpu.memory_space<vmem>>) target(%dma_start3A_205 : memref<200x64xf32, #tpu.memory_space<hbm>>) target_semaphore(%arg17 : memref<!tpu.dma_semaphore, #tpu.memory_space<semaphore_mem>>)
      %add3A_206 = arith.constant 2 : i32
      %add3A_207 = arith.addi %add3A_180, %add3A_206 : i32
      %lt3A_208 = arith.constant 128 : i32
      %lt3A_209 = arith.cmpi slt, %add3A_207, %lt3A_208 : i32
      %convert_element_type3A_210 = arith.extui %lt3A_209 : i1 to i32
      %cond3A_211 = arith.constant 0 : i32
      %cond3A_212 = arith.cmpi ne, %convert_element_type3A_210, %cond3A_211 : i32
      scf.if %cond3A_212 {
        %ge3A = arith.constant 4 : i32
        %ge3A_285 = arith.cmpi sge, %add3A_207, %ge3A : i32
        %convert_element_type3A_286 = arith.extui %ge3A_285 : i1 to i32
        %cond3A_287 = arith.constant 0 : i32
        %cond3A_288 = arith.cmpi ne, %convert_element_type3A_286, %cond3A_287 : i32
        scf.if %cond3A_288 {
          %sub3A = arith.constant 4 : i32
          %sub3A_307 = arith.subi %add3A_207, %sub3A : i32
          %add3A_308 = arith.addi %mul3A_2, %sub3A_307 : i32
          %mul3A_309 = arith.constant 200 : i32
          %mul3A_310 = arith.muli %add3A_308, %mul3A_309 : i32
          %dma_wait3A_311 = arith.constant 0 : i32
          %dma_wait3A_312 = tpu.memref_slice %arg4[%mul3A_310, %dma_wait3A_311] : memref<819200x128xf32, #tpu.memory_space<hbm>> -> memref<200x64xf32, #tpu.memory_space<hbm>>
          %dma_wait3A_313 = arith.constant 0 : i32
          %dma_wait3A_314 = tpu.memref_slice %arg4[%mul3A_310, %dma_wait3A_313] : memref<819200x128xf32, #tpu.memory_space<hbm>> -> memref<200x64xf32, #tpu.memory_space<hbm>>
          tpu.wait_dma2 semaphore(%arg19 : memref<!tpu.dma_semaphore, #tpu.memory_space<semaphore_mem>>) src(%arg10 : memref<200x64xf32, #tpu.memory_space<vmem>>) dst(%dma_wait3A_314 : memref<200x64xf32, #tpu.memory_space<hbm>>)
        } else {
        }
        %dma_start3A_289 = arith.constant 0 : i32
        %dma_start3A_290 = arith.constant 0 : i32
        %dma_start3A_291 = tpu.memref_slice %arg10[%dma_start3A_289, %dma_start3A_290] : memref<200x64xf32, #tpu.memory_space<vmem>> -> memref<104x64xf32, #tpu.memory_space<vmem>>
        %dma_start3A_292 = arith.constant 0 : i32
        %dma_start3A_293 = tpu.memref_slice %arg6[%add3A_207, %dma_start3A_292] : memref<128x208xi32, #tpu.memory_space<vmem>> -> memref<1x104xi32, #tpu.memory_space<vmem>>
        %dma_start3A_294 = tpu.memref_squeeze %dma_start3A_293 : memref<1x104xi32, #tpu.memory_space<vmem>> -> memref<104xi32, #tpu.memory_space<vmem>>
        %dma_start3A_295 = arith.constant 0 : i32
        %dma_start3A_296 = arith.constant 0 : i32
        %dma_start3A_297 = tpu.memref_slice %arg3[%dma_start3A_295, %dma_start3A_296] : memref<1000000x64xf32, #tpu.memory_space<hbm>> -> memref<1000000x64xf32, #tpu.memory_space<hbm>>
        tpu.enqueue_indirect_dma source(%dma_start3A_297 : memref<1000000x64xf32, #tpu.memory_space<hbm>>) target(%dma_start3A_291 : memref<104x64xf32, #tpu.memory_space<vmem>>) offsets(%dma_start3A_294 : memref<104xi32, #tpu.memory_space<vmem>>) semaphore(%arg15 : memref<!tpu.dma_semaphore, #tpu.memory_space<semaphore_mem>>)
        %dma_start3A_298 = arith.constant 104 : i32
        %dma_start3A_299 = arith.constant 0 : i32
        %dma_start3A_300 = tpu.memref_slice %arg10[%dma_start3A_298, %dma_start3A_299] : memref<200x64xf32, #tpu.memory_space<vmem>> -> memref<96x64xf32, #tpu.memory_space<vmem>>
        %dma_start3A_301 = arith.constant 104 : i32
        %dma_start3A_302 = tpu.memref_slice %arg6[%add3A_207, %dma_start3A_301] : memref<128x208xi32, #tpu.memory_space<vmem>> -> memref<1x96xi32, #tpu.memory_space<vmem>>
        %dma_start3A_303 = tpu.memref_squeeze %dma_start3A_302 : memref<1x96xi32, #tpu.memory_space<vmem>> -> memref<96xi32, #tpu.memory_space<vmem>>
        %dma_start3A_304 = arith.constant 0 : i32
        %dma_start3A_305 = arith.constant 0 : i32
        %dma_start3A_306 = tpu.memref_slice %arg3[%dma_start3A_304, %dma_start3A_305] : memref<1000000x64xf32, #tpu.memory_space<hbm>> -> memref<1000000x64xf32, #tpu.memory_space<hbm>>
        tpu.enqueue_indirect_dma source(%dma_start3A_306 : memref<1000000x64xf32, #tpu.memory_space<hbm>>) target(%dma_start3A_300 : memref<96x64xf32, #tpu.memory_space<vmem>>) offsets(%dma_start3A_303 : memref<96xi32, #tpu.memory_space<vmem>>) semaphore(%arg15 : memref<!tpu.dma_semaphore, #tpu.memory_space<semaphore_mem>>)
      } else {
      }
      %mul3A_213 = arith.constant 4 : i32
      %mul3A_214 = arith.muli %scan3A_143, %mul3A_213 : i32
      %add3A_215 = arith.constant 2 : i32
      %add3A_216 = arith.addi %mul3A_214, %add3A_215 : i32
      %dma_wait3A_217 = arith.constant 0 : i32
      %dma_wait3A_218 = arith.constant 0 : i32
      %dma_wait3A_219 = tpu.memref_slice %arg9[%dma_wait3A_217, %dma_wait3A_218] : memref<200x64xf32, #tpu.memory_space<vmem>> -> memref<104x64xf32, #tpu.memory_space<vmem>>
      %dma_wait3A_220 = arith.constant 0 : i32
      %dma_wait3A_221 = tpu.memref_slice %arg6[%add3A_216, %dma_wait3A_220] : memref<128x208xi32, #tpu.memory_space<vmem>> -> memref<1x104xi32, #tpu.memory_space<vmem>>
      %dma_wait3A_222 = tpu.memref_squeeze %dma_wait3A_221 : memref<1x104xi32, #tpu.memory_space<vmem>> -> memref<104xi32, #tpu.memory_space<vmem>>
      %dma_wait3A_223 = arith.constant 0 : i32
      %dma_wait3A_224 = arith.constant 0 : i32
      %dma_wait3A_225 = tpu.memref_slice %arg3[%dma_wait3A_223, %dma_wait3A_224] : memref<1000000x64xf32, #tpu.memory_space<hbm>> -> memref<1000000x64xf32, #tpu.memory_space<hbm>>
      tpu.wait_indirect_dma semaphore(%arg14 : memref<!tpu.dma_semaphore, #tpu.memory_space<semaphore_mem>>) src(%dma_wait3A_225 : memref<1000000x64xf32, #tpu.memory_space<hbm>>) dst(%dma_wait3A_219 : memref<104x64xf32, #tpu.memory_space<vmem>>)
      %dma_wait3A_226 = arith.constant 104 : i32
      %dma_wait3A_227 = arith.constant 0 : i32
      %dma_wait3A_228 = tpu.memref_slice %arg9[%dma_wait3A_226, %dma_wait3A_227] : memref<200x64xf32, #tpu.memory_space<vmem>> -> memref<96x64xf32, #tpu.memory_space<vmem>>
      %dma_wait3A_229 = arith.constant 104 : i32
      %dma_wait3A_230 = tpu.memref_slice %arg6[%add3A_216, %dma_wait3A_229] : memref<128x208xi32, #tpu.memory_space<vmem>> -> memref<1x96xi32, #tpu.memory_space<vmem>>
      %dma_wait3A_231 = tpu.memref_squeeze %dma_wait3A_230 : memref<1x96xi32, #tpu.memory_space<vmem>> -> memref<96xi32, #tpu.memory_space<vmem>>
      %dma_wait3A_232 = arith.constant 0 : i32
      %dma_wait3A_233 = arith.constant 0 : i32
      %dma_wait3A_234 = tpu.memref_slice %arg3[%dma_wait3A_232, %dma_wait3A_233] : memref<1000000x64xf32, #tpu.memory_space<hbm>> -> memref<1000000x64xf32, #tpu.memory_space<hbm>>
      tpu.wait_indirect_dma semaphore(%arg14 : memref<!tpu.dma_semaphore, #tpu.memory_space<semaphore_mem>>) src(%dma_wait3A_234 : memref<1000000x64xf32, #tpu.memory_space<hbm>>) dst(%dma_wait3A_228 : memref<96x64xf32, #tpu.memory_space<vmem>>)
      %add3A_235 = arith.addi %mul3A_2, %add3A_216 : i32
      %mul3A_236 = arith.constant 200 : i32
      %mul3A_237 = arith.muli %add3A_235, %mul3A_236 : i32
      %dma_start3A_238 = arith.constant 0 : i32
      %dma_start3A_239 = tpu.memref_slice %arg4[%mul3A_237, %dma_start3A_238] : memref<819200x128xf32, #tpu.memory_space<hbm>> -> memref<200x64xf32, #tpu.memory_space<hbm>>
      %dma_start3A_240 = arith.constant 0 : i32
      %dma_start3A_241 = tpu.memref_slice %arg4[%mul3A_237, %dma_start3A_240] : memref<819200x128xf32, #tpu.memory_space<hbm>> -> memref<200x64xf32, #tpu.memory_space<hbm>>
      tpu.enqueue_dma source(%arg9 : memref<200x64xf32, #tpu.memory_space<vmem>>) target(%dma_start3A_241 : memref<200x64xf32, #tpu.memory_space<hbm>>) target_semaphore(%arg18 : memref<!tpu.dma_semaphore, #tpu.memory_space<semaphore_mem>>)
      %add3A_242 = arith.constant 2 : i32
      %add3A_243 = arith.addi %add3A_216, %add3A_242 : i32
      %lt3A_244 = arith.constant 128 : i32
      %lt3A_245 = arith.cmpi slt, %add3A_243, %lt3A_244 : i32
      %convert_element_type3A_246 = arith.extui %lt3A_245 : i1 to i32
      %cond3A_247 = arith.constant 0 : i32
      %cond3A_248 = arith.cmpi ne, %convert_element_type3A_246, %cond3A_247 : i32
      scf.if %cond3A_248 {
        %ge3A = arith.constant 4 : i32
        %ge3A_285 = arith.cmpi sge, %add3A_243, %ge3A : i32
        %convert_element_type3A_286 = arith.extui %ge3A_285 : i1 to i32
        %cond3A_287 = arith.constant 0 : i32
        %cond3A_288 = arith.cmpi ne, %convert_element_type3A_286, %cond3A_287 : i32
        scf.if %cond3A_288 {
          %sub3A = arith.constant 4 : i32
          %sub3A_307 = arith.subi %add3A_243, %sub3A : i32
          %add3A_308 = arith.addi %mul3A_2, %sub3A_307 : i32
          %mul3A_309 = arith.constant 200 : i32
          %mul3A_310 = arith.muli %add3A_308, %mul3A_309 : i32
          %dma_wait3A_311 = arith.constant 0 : i32
          %dma_wait3A_312 = tpu.memref_slice %arg4[%mul3A_310, %dma_wait3A_311] : memref<819200x128xf32, #tpu.memory_space<hbm>> -> memref<200x64xf32, #tpu.memory_space<hbm>>
          %dma_wait3A_313 = arith.constant 0 : i32
          %dma_wait3A_314 = tpu.memref_slice %arg4[%mul3A_310, %dma_wait3A_313] : memref<819200x128xf32, #tpu.memory_space<hbm>> -> memref<200x64xf32, #tpu.memory_space<hbm>>
          tpu.wait_dma2 semaphore(%arg16 : memref<!tpu.dma_semaphore, #tpu.memory_space<semaphore_mem>>) src(%arg7 : memref<200x64xf32, #tpu.memory_space<vmem>>) dst(%dma_wait3A_314 : memref<200x64xf32, #tpu.memory_space<hbm>>)
        } else {
        }
        %dma_start3A_289 = arith.constant 0 : i32
        %dma_start3A_290 = arith.constant 0 : i32
        %dma_start3A_291 = tpu.memref_slice %arg7[%dma_start3A_289, %dma_start3A_290] : memref<200x64xf32, #tpu.memory_space<vmem>> -> memref<104x64xf32, #tpu.memory_space<vmem>>
        %dma_start3A_292 = arith.constant 0 : i32
        %dma_start3A_293 = tpu.memref_slice %arg6[%add3A_243, %dma_start3A_292] : memref<128x208xi32, #tpu.memory_space<vmem>> -> memref<1x104xi32, #tpu.memory_space<vmem>>
        %dma_start3A_294 = tpu.memref_squeeze %dma_start3A_293 : memref<1x104xi32, #tpu.memory_space<vmem>> -> memref<104xi32, #tpu.memory_space<vmem>>
        %dma_start3A_295 = arith.constant 0 : i32
        %dma_start3A_296 = arith.constant 0 : i32
        %dma_start3A_297 = tpu.memref_slice %arg3[%dma_start3A_295, %dma_start3A_296] : memref<1000000x64xf32, #tpu.memory_space<hbm>> -> memref<1000000x64xf32, #tpu.memory_space<hbm>>
        tpu.enqueue_indirect_dma source(%dma_start3A_297 : memref<1000000x64xf32, #tpu.memory_space<hbm>>) target(%dma_start3A_291 : memref<104x64xf32, #tpu.memory_space<vmem>>) offsets(%dma_start3A_294 : memref<104xi32, #tpu.memory_space<vmem>>) semaphore(%arg12 : memref<!tpu.dma_semaphore, #tpu.memory_space<semaphore_mem>>)
        %dma_start3A_298 = arith.constant 104 : i32
        %dma_start3A_299 = arith.constant 0 : i32
        %dma_start3A_300 = tpu.memref_slice %arg7[%dma_start3A_298, %dma_start3A_299] : memref<200x64xf32, #tpu.memory_space<vmem>> -> memref<96x64xf32, #tpu.memory_space<vmem>>
        %dma_start3A_301 = arith.constant 104 : i32
        %dma_start3A_302 = tpu.memref_slice %arg6[%add3A_243, %dma_start3A_301] : memref<128x208xi32, #tpu.memory_space<vmem>> -> memref<1x96xi32, #tpu.memory_space<vmem>>
        %dma_start3A_303 = tpu.memref_squeeze %dma_start3A_302 : memref<1x96xi32, #tpu.memory_space<vmem>> -> memref<96xi32, #tpu.memory_space<vmem>>
        %dma_start3A_304 = arith.constant 0 : i32
        %dma_start3A_305 = arith.constant 0 : i32
        %dma_start3A_306 = tpu.memref_slice %arg3[%dma_start3A_304, %dma_start3A_305] : memref<1000000x64xf32, #tpu.memory_space<hbm>> -> memref<1000000x64xf32, #tpu.memory_space<hbm>>
        tpu.enqueue_indirect_dma source(%dma_start3A_306 : memref<1000000x64xf32, #tpu.memory_space<hbm>>) target(%dma_start3A_300 : memref<96x64xf32, #tpu.memory_space<vmem>>) offsets(%dma_start3A_303 : memref<96xi32, #tpu.memory_space<vmem>>) semaphore(%arg12 : memref<!tpu.dma_semaphore, #tpu.memory_space<semaphore_mem>>)
      } else {
      }
      %mul3A_249 = arith.constant 4 : i32
      %mul3A_250 = arith.muli %scan3A_143, %mul3A_249 : i32
      %add3A_251 = arith.constant 3 : i32
      %add3A_252 = arith.addi %mul3A_250, %add3A_251 : i32
      %dma_wait3A_253 = arith.constant 0 : i32
      %dma_wait3A_254 = arith.constant 0 : i32
      %dma_wait3A_255 = tpu.memref_slice %arg10[%dma_wait3A_253, %dma_wait3A_254] : memref<200x64xf32, #tpu.memory_space<vmem>> -> memref<104x64xf32, #tpu.memory_space<vmem>>
      %dma_wait3A_256 = arith.constant 0 : i32
      %dma_wait3A_257 = tpu.memref_slice %arg6[%add3A_252, %dma_wait3A_256] : memref<128x208xi32, #tpu.memory_space<vmem>> -> memref<1x104xi32, #tpu.memory_space<vmem>>
      %dma_wait3A_258 = tpu.memref_squeeze %dma_wait3A_257 : memref<1x104xi32, #tpu.memory_space<vmem>> -> memref<104xi32, #tpu.memory_space<vmem>>
      %dma_wait3A_259 = arith.constant 0 : i32
      %dma_wait3A_260 = arith.constant 0 : i32
      %dma_wait3A_261 = tpu.memref_slice %arg3[%dma_wait3A_259, %dma_wait3A_260] : memref<1000000x64xf32, #tpu.memory_space<hbm>> -> memref<1000000x64xf32, #tpu.memory_space<hbm>>
      tpu.wait_indirect_dma semaphore(%arg15 : memref<!tpu.dma_semaphore, #tpu.memory_space<semaphore_mem>>) src(%dma_wait3A_261 : memref<1000000x64xf32, #tpu.memory_space<hbm>>) dst(%dma_wait3A_255 : memref<104x64xf32, #tpu.memory_space<vmem>>)
      %dma_wait3A_262 = arith.constant 104 : i32
      %dma_wait3A_263 = arith.constant 0 : i32
      %dma_wait3A_264 = tpu.memref_slice %arg10[%dma_wait3A_262, %dma_wait3A_263] : memref<200x64xf32, #tpu.memory_space<vmem>> -> memref<96x64xf32, #tpu.memory_space<vmem>>
      %dma_wait3A_265 = arith.constant 104 : i32
      %dma_wait3A_266 = tpu.memref_slice %arg6[%add3A_252, %dma_wait3A_265] : memref<128x208xi32, #tpu.memory_space<vmem>> -> memref<1x96xi32, #tpu.memory_space<vmem>>
      %dma_wait3A_267 = tpu.memref_squeeze %dma_wait3A_266 : memref<1x96xi32, #tpu.memory_space<vmem>> -> memref<96xi32, #tpu.memory_space<vmem>>
      %dma_wait3A_268 = arith.constant 0 : i32
      %dma_wait3A_269 = arith.constant 0 : i32
      %dma_wait3A_270 = tpu.memref_slice %arg3[%dma_wait3A_268, %dma_wait3A_269] : memref<1000000x64xf32, #tpu.memory_space<hbm>> -> memref<1000000x64xf32, #tpu.memory_space<hbm>>
      tpu.wait_indirect_dma semaphore(%arg15 : memref<!tpu.dma_semaphore, #tpu.memory_space<semaphore_mem>>) src(%dma_wait3A_270 : memref<1000000x64xf32, #tpu.memory_space<hbm>>) dst(%dma_wait3A_264 : memref<96x64xf32, #tpu.memory_space<vmem>>)
      %add3A_271 = arith.addi %mul3A_2, %add3A_252 : i32
      %mul3A_272 = arith.constant 200 : i32
      %mul3A_273 = arith.muli %add3A_271, %mul3A_272 : i32
      %dma_start3A_274 = arith.constant 0 : i32
      %dma_start3A_275 = tpu.memref_slice %arg4[%mul3A_273, %dma_start3A_274] : memref<819200x128xf32, #tpu.memory_space<hbm>> -> memref<200x64xf32, #tpu.memory_space<hbm>>
      %dma_start3A_276 = arith.constant 0 : i32
      %dma_start3A_277 = tpu.memref_slice %arg4[%mul3A_273, %dma_start3A_276] : memref<819200x128xf32, #tpu.memory_space<hbm>> -> memref<200x64xf32, #tpu.memory_space<hbm>>
      tpu.enqueue_dma source(%arg10 : memref<200x64xf32, #tpu.memory_space<vmem>>) target(%dma_start3A_277 : memref<200x64xf32, #tpu.memory_space<hbm>>) target_semaphore(%arg19 : memref<!tpu.dma_semaphore, #tpu.memory_space<semaphore_mem>>)
      %add3A_278 = arith.constant 2 : i32
      %add3A_279 = arith.addi %add3A_252, %add3A_278 : i32
      %lt3A_280 = arith.constant 128 : i32
      %lt3A_281 = arith.cmpi slt, %add3A_279, %lt3A_280 : i32
      %convert_element_type3A_282 = arith.extui %lt3A_281 : i1 to i32
      %cond3A_283 = arith.constant 0 : i32
      %cond3A_284 = arith.cmpi ne, %convert_element_type3A_282, %cond3A_283 : i32
      scf.if %cond3A_284 {
        %ge3A = arith.constant 4 : i32
        %ge3A_285 = arith.cmpi sge, %add3A_279, %ge3A : i32
        %convert_element_type3A_286 = arith.extui %ge3A_285 : i1 to i32
        %cond3A_287 = arith.constant 0 : i32
        %cond3A_288 = arith.cmpi ne, %convert_element_type3A_286, %cond3A_287 : i32
        scf.if %cond3A_288 {
          %sub3A = arith.constant 4 : i32
          %sub3A_307 = arith.subi %add3A_279, %sub3A : i32
          %add3A_308 = arith.addi %mul3A_2, %sub3A_307 : i32
          %mul3A_309 = arith.constant 200 : i32
          %mul3A_310 = arith.muli %add3A_308, %mul3A_309 : i32
          %dma_wait3A_311 = arith.constant 0 : i32
          %dma_wait3A_312 = tpu.memref_slice %arg4[%mul3A_310, %dma_wait3A_311] : memref<819200x128xf32, #tpu.memory_space<hbm>> -> memref<200x64xf32, #tpu.memory_space<hbm>>
          %dma_wait3A_313 = arith.constant 0 : i32
          %dma_wait3A_314 = tpu.memref_slice %arg4[%mul3A_310, %dma_wait3A_313] : memref<819200x128xf32, #tpu.memory_space<hbm>> -> memref<200x64xf32, #tpu.memory_space<hbm>>
          tpu.wait_dma2 semaphore(%arg17 : memref<!tpu.dma_semaphore, #tpu.memory_space<semaphore_mem>>) src(%arg8 : memref<200x64xf32, #tpu.memory_space<vmem>>) dst(%dma_wait3A_314 : memref<200x64xf32, #tpu.memory_space<hbm>>)
        } else {
        }
        %dma_start3A_289 = arith.constant 0 : i32
        %dma_start3A_290 = arith.constant 0 : i32
        %dma_start3A_291 = tpu.memref_slice %arg8[%dma_start3A_289, %dma_start3A_290] : memref<200x64xf32, #tpu.memory_space<vmem>> -> memref<104x64xf32, #tpu.memory_space<vmem>>
        %dma_start3A_292 = arith.constant 0 : i32
        %dma_start3A_293 = tpu.memref_slice %arg6[%add3A_279, %dma_start3A_292] : memref<128x208xi32, #tpu.memory_space<vmem>> -> memref<1x104xi32, #tpu.memory_space<vmem>>
        %dma_start3A_294 = tpu.memref_squeeze %dma_start3A_293 : memref<1x104xi32, #tpu.memory_space<vmem>> -> memref<104xi32, #tpu.memory_space<vmem>>
        %dma_start3A_295 = arith.constant 0 : i32
        %dma_start3A_296 = arith.constant 0 : i32
        %dma_start3A_297 = tpu.memref_slice %arg3[%dma_start3A_295, %dma_start3A_296] : memref<1000000x64xf32, #tpu.memory_space<hbm>> -> memref<1000000x64xf32, #tpu.memory_space<hbm>>
        tpu.enqueue_indirect_dma source(%dma_start3A_297 : memref<1000000x64xf32, #tpu.memory_space<hbm>>) target(%dma_start3A_291 : memref<104x64xf32, #tpu.memory_space<vmem>>) offsets(%dma_start3A_294 : memref<104xi32, #tpu.memory_space<vmem>>) semaphore(%arg13 : memref<!tpu.dma_semaphore, #tpu.memory_space<semaphore_mem>>)
        %dma_start3A_298 = arith.constant 104 : i32
        %dma_start3A_299 = arith.constant 0 : i32
        %dma_start3A_300 = tpu.memref_slice %arg8[%dma_start3A_298, %dma_start3A_299] : memref<200x64xf32, #tpu.memory_space<vmem>> -> memref<96x64xf32, #tpu.memory_space<vmem>>
        %dma_start3A_301 = arith.constant 104 : i32
        %dma_start3A_302 = tpu.memref_slice %arg6[%add3A_279, %dma_start3A_301] : memref<128x208xi32, #tpu.memory_space<vmem>> -> memref<1x96xi32, #tpu.memory_space<vmem>>
        %dma_start3A_303 = tpu.memref_squeeze %dma_start3A_302 : memref<1x96xi32, #tpu.memory_space<vmem>> -> memref<96xi32, #tpu.memory_space<vmem>>
        %dma_start3A_304 = arith.constant 0 : i32
        %dma_start3A_305 = arith.constant 0 : i32
        %dma_start3A_306 = tpu.memref_slice %arg3[%dma_start3A_304, %dma_start3A_305] : memref<1000000x64xf32, #tpu.memory_space<hbm>> -> memref<1000000x64xf32, #tpu.memory_space<hbm>>
        tpu.enqueue_indirect_dma source(%dma_start3A_306 : memref<1000000x64xf32, #tpu.memory_space<hbm>>) target(%dma_start3A_300 : memref<96x64xf32, #tpu.memory_space<vmem>>) offsets(%dma_start3A_303 : memref<96xi32, #tpu.memory_space<vmem>>) semaphore(%arg13 : memref<!tpu.dma_semaphore, #tpu.memory_space<semaphore_mem>>)
      } else {
      }
    }
    %scan3A_110 = arith.constant 32 : i32
    %add3A_111 = arith.constant 124 : i32
    %add3A_112 = arith.addi %mul3A_2, %add3A_111 : i32
    %mul3A_113 = arith.constant 200 : i32
    %mul3A_114 = arith.muli %add3A_112, %mul3A_113 : i32
    %dma_wait3A_115 = arith.constant 0 : i32
    %dma_wait3A_116 = tpu.memref_slice %arg4[%mul3A_114, %dma_wait3A_115] : memref<819200x128xf32, #tpu.memory_space<hbm>> -> memref<200x64xf32, #tpu.memory_space<hbm>>
    %dma_wait3A_117 = arith.constant 0 : i32
    %dma_wait3A_118 = tpu.memref_slice %arg4[%mul3A_114, %dma_wait3A_117] : memref<819200x128xf32, #tpu.memory_space<hbm>> -> memref<200x64xf32, #tpu.memory_space<hbm>>
    tpu.wait_dma2 semaphore(%arg16 : memref<!tpu.dma_semaphore, #tpu.memory_space<semaphore_mem>>) src(%arg7 : memref<200x64xf32, #tpu.memory_space<vmem>>) dst(%dma_wait3A_118 : memref<200x64xf32, #tpu.memory_space<hbm>>)
    %add3A_119 = arith.constant 125 : i32
    %add3A_120 = arith.addi %mul3A_2, %add3A_119 : i32
    %mul3A_121 = arith.constant 200 : i32
    %mul3A_122 = arith.muli %add3A_120, %mul3A_121 : i32
    %dma_wait3A_123 = arith.constant 0 : i32
    %dma_wait3A_124 = tpu.memref_slice %arg4[%mul3A_122, %dma_wait3A_123] : memref<819200x128xf32, #tpu.memory_space<hbm>> -> memref<200x64xf32, #tpu.memory_space<hbm>>
    %dma_wait3A_125 = arith.constant 0 : i32
    %dma_wait3A_126 = tpu.memref_slice %arg4[%mul3A_122, %dma_wait3A_125] : memref<819200x128xf32, #tpu.memory_space<hbm>> -> memref<200x64xf32, #tpu.memory_space<hbm>>
    tpu.wait_dma2 semaphore(%arg17 : memref<!tpu.dma_semaphore, #tpu.memory_space<semaphore_mem>>) src(%arg8 : memref<200x64xf32, #tpu.memory_space<vmem>>) dst(%dma_wait3A_126 : memref<200x64xf32, #tpu.memory_space<hbm>>)
    %add3A_127 = arith.constant 126 : i32
    %add3A_128 = arith.addi %mul3A_2, %add3A_127 : i32
    %mul3A_129 = arith.constant 200 : i32
    %mul3A_130 = arith.muli %add3A_128, %mul3A_129 : i32
    %dma_wait3A_131 = arith.constant 0 : i32
    %dma_wait3A_132 = tpu.memref_slice %arg4[%mul3A_130, %dma_wait3A_131] : memref<819200x128xf32, #tpu.memory_space<hbm>> -> memref<200x64xf32, #tpu.memory_space<hbm>>
    %dma_wait3A_133 = arith.constant 0 : i32
    %dma_wait3A_134 = tpu.memref_slice %arg4[%mul3A_130, %dma_wait3A_133] : memref<819200x128xf32, #tpu.memory_space<hbm>> -> memref<200x64xf32, #tpu.memory_space<hbm>>
    tpu.wait_dma2 semaphore(%arg18 : memref<!tpu.dma_semaphore, #tpu.memory_space<semaphore_mem>>) src(%arg9 : memref<200x64xf32, #tpu.memory_space<vmem>>) dst(%dma_wait3A_134 : memref<200x64xf32, #tpu.memory_space<hbm>>)
    %add3A_135 = arith.constant 127 : i32
    %add3A_136 = arith.addi %mul3A_2, %add3A_135 : i32
    %mul3A_137 = arith.constant 200 : i32
    %mul3A_138 = arith.muli %add3A_136, %mul3A_137 : i32
    %dma_wait3A_139 = arith.constant 0 : i32
    %dma_wait3A_140 = tpu.memref_slice %arg4[%mul3A_138, %dma_wait3A_139] : memref<819200x128xf32, #tpu.memory_space<hbm>> -> memref<200x64xf32, #tpu.memory_space<hbm>>
    %dma_wait3A_141 = arith.constant 0 : i32
    %dma_wait3A_142 = tpu.memref_slice %arg4[%mul3A_138, %dma_wait3A_141] : memref<819200x128xf32, #tpu.memory_space<hbm>> -> memref<200x64xf32, #tpu.memory_space<hbm>>
    tpu.wait_dma2 semaphore(%arg19 : memref<!tpu.dma_semaphore, #tpu.memory_space<semaphore_mem>>) src(%arg10 : memref<200x64xf32, #tpu.memory_space<vmem>>) dst(%dma_wait3A_142 : memref<200x64xf32, #tpu.memory_space<hbm>>)
    return
  }
}

</mosaic_0001>

<sc_bundles>
// kernel: kernel.3.cloned.1.call-start
scs
__scs_entry_jumppad:
0x0: {  	(pc) =	sbr.rel $0x88, $3  }
0x1: {  	(tag) =	ssettag $0x0;
	lr =	simm.s32 $0x1  }
0x2: {  	[smem:$0x3F9F] =	sst lr;
	_ =	strace $0xD0000000  }
0x3: {  	_ = 	snop  }
0x4: {  	_ = 	snop  }
0x5: {  	_ = 	snop  }
0x6: {  	_ = 	snop  }
0x7: {  	_ = 	snop  }
__scs_overlays_trampoline_lowered:
0x8: {  	[smem:$0x3FAE] =	sst s0  }
0x9: {  	[smem:$0x3FAF] =	sst s1  }
0xa: {  	[smem:$0x3FB0] =	sst s2  }
0xb: {  	[smem:$0x3FB1] =	sst s3  }
0xc: {  	[smem:$0x3FB2] =	sst s4  }
0xd: {  	[smem:$0x3FB3] =	sst s5  }
0xe: {  	[smem:$0x3FB4] =	sst s6  }
0xf: {  	[smem:$0x3FB5] =	sst s7  }
0x10: {  	[smem:$0x3FB6] =	sst s8  }
0x11: {  	[smem:$0x3FB7] =	sst s9;
	s0 =	simm.s32 @!p0 $0x0  }
0x12: {  	s1 =	sld [smem:$0x3F9D];
	s0 =	simm.s32 @p0 $0x1  }
0x13: {  	[smem:$0x3FB8] =	sst s0;
	s0 =	simm.s32 @!p1 $0x0  }
0x14: {  	s2 =	sld [smem:$0x3F9C];
	s0 =	simm.s32 @p1 $0x1  }
0x15: {  	[smem:$0x3FB9] =	sst s0;
	s0 =	simm.s32 @!p2 $0x0  }
0x16: {  	s3 =	sld [smem:$0x3FDB];
	s0 =	simm.s32 @p2 $0x1  }
0x17: {  	s4 =	simm.s32 $0x1BF5;
	[smem:$0x3FBB] =	sst s0  }
0x18: {  	s0 =	sld [smem:$0x3F9E];
	_ =	swait.ge [sflag:s4], $0x0  }
0x19: {  	s7 =	sld [smem:$0x3F9F]  }
0x1a: {  	s8 =	sadd.s32 $0xFFFFE003, lr  }
0x1b: {  	s9 =	sadd.s32 $0xFFFFFEF7, lr;
	s5 =	simm.s32 $0xFFFFFFFF;
	p2 =	slt.u32 s8, $0xFFFFF086  }
0x1c: {  	p1 =	slt.u32 s9, $0xF7A;
	s5 =	simm.s32 @!p2 $0x0  }
0x1d: {  	s5 =	simm.s32 @p1 $0x1;
	p0 =	seq.s32 s7, s2  }
0x1e: {  	s7 =	smul.u32 @!p0 $0xF7A, s2;
	p2 =	seq.s32 @!p0 s5, $0x0  }
0x1f: {  	s9 =	smul.u32 $0xF7A, s1;
	s8 =	simm.s32 @!p0 $0x1BF5;
	p2 =	por !p2, p0  }
0x20: {  	[sflag:s8] =	ssyncset.s32 @!p0 $0xFFFFF086;
	s6 =	sadd.s32 @!p0 s3, s7;
	s7 =	simm.s32 @!p0 $0x108  }
0x21: {  	s3 =	sadd.s32 s3, s9;
	s6 =	sadd.s32 @!p0 $0x88, s6;
	s7 =	simm.s32 @p2 $0x1082  }
0x22: {  	[simem:s7], [sflag:s8] =	dma.local @!p0 [hbm:s6], $0xF7A  }
0x23: {  	s9 =	sor.u32 $0xD0000000, s2;
	s6 =	simm.s32 $0x108;
	_ =	swait.ge @!p0 [sflag:s8], $0x0  }
0x24: {  	s3 =	sadd.s32 $0x88, s3;
	s6 =	simm.s32 @!p1 $0x1082;
	[sflag:s4] =	ssyncset.s32 $0xFFFFF086  }
0x25: {  	[simem:s6], [sflag:s4] =	dma.local [hbm:s3], $0xF7A  }
0x26: {  	[smem:$0x3F9F] =	sst s1;
	(tag) =	ssettag s2;
	_ =	strace s9  }
0x27: {  	s1 =	sld [smem:$0x3FAF]  }
0x28: {  	s2 =	sld [smem:$0x3FB0]  }
0x29: {  	s4 =	sld [smem:$0x3FB2]  }
0x2a: {  	p0 =	seq.s32 s5, $0x0;
	s5 =	sld [smem:$0x3FB3]  }
0x2b: {  	s6 =	sld [smem:$0x3FB4]  }
0x2c: {  	s7 =	sld [smem:$0x3FB5]  }
0x2d: {  	s3 =	simm.s32 $0x108;
	s8 =	sld [smem:$0x3FB6]  }
0x2e: {  	s3 =	simm.s32 @!p0 $0x1082;
	s9 =	sld [smem:$0x3FB7]  }
0x2f: {  	lr =	sadd.s32 s0, s3;
	s0 =	sld [smem:$0x3FAE]  }
0x30: {  	s3 =	sld [smem:$0x3FB1]  }
0x31: {  	[smem:$0x3FBA] =	sst s10  }
0x32: {  	s10 =	sld [smem:$0x3FB8];
	_ =	sdelay $0x3  }
0x33: {  	p0 =	seq.s32 s10, $0x1;
	s10 =	sld [smem:$0x3FBA];
	_ =	sdelay $0x3  }
0x34: {  	[smem:$0x3FBA] =	sst s10  }
0x35: {  	s10 =	sld [smem:$0x3FB9];
	_ =	sdelay $0x3  }
0x36: {  	p1 =	seq.s32 s10, $0x1;
	s10 =	sld [smem:$0x3FBA];
	_ =	sdelay $0x3  }
0x37: {  	[smem:$0x3FBA] =	sst s10  }
0x38: {  	s10 =	sld [smem:$0x3FBB]  }
0x39: {  	_ = 	snop;
	(pc) =	sbr.ind lr, $3  }
0x3a: {  	_ = 	snop  }
0x3b: {  	_ = 	snop  }
0x3c: {  	p2 =	seq.s32 s10, $0x1;
	s10 =	sld [smem:$0x3FBA]  }
0x3d: {  	_ =	shalt  }
0x3e: {  	_ =	shalt  }
0x3f: {  	_ =	shalt  }
0x40: {  	_ =	shalt  }
0x41: {  	_ =	shalt  }
0x42: {  	_ =	shalt  }
0x43: {  	_ =	shalt  }
0x44: {  	_ =	shalt  }
0x45: {  	_ =	shalt  }
0x46: {  	_ =	shalt  }
0x47: {  	_ =	shalt  }
0x48: {  	_ =	shalt  }
0x49: {  	_ =	shalt  }
0x4a: {  	_ =	shalt  }
0x4b: {  	_ =	shalt  }
0x4c: {  	_ =	shalt  }
0x4d: {  	_ =	shalt  }
0x4e: {  	_ =	shalt  }
0x4f: {  	_ =	shalt  }
0x50: {  	_ =	shalt  }
0x51: {  	_ =	shalt  }
0x52: {  	_ =	shalt  }
0x53: {  	_ =	shalt  }
0x54: {  	_ =	shalt  }
0x55: {  	_ =	shalt  }
0x56: {  	_ =	shalt  }
0x57: {  	_ =	shalt  }
0x58: {  	_ =	shalt  }
0x59: {  	_ =	shalt  }
0x5a: {  	_ =	shalt  }
0x5b: {  	_ =	shalt  }
0x5c: {  	_ =	shalt  }
0x5d: {  	_ =	shalt  }
0x5e: {  	_ =	shalt  }
0x5f: {  	_ =	shalt  }
0x60: {  	_ =	shalt  }
0x61: {  	_ =	shalt  }
0x62: {  	_ =	shalt  }
0x63: {  	_ =	shalt  }
0x64: {  	_ =	shalt  }
0x65: {  	_ =	shalt  }
0x66: {  	_ =	shalt  }
0x67: {  	_ =	shalt  }
0x68: {  	_ =	shalt  }
0x69: {  	_ =	shalt  }
0x6a: {  	_ =	shalt  }
0x6b: {  	_ =	shalt  }
0x6c: {  	_ =	shalt  }
0x6d: {  	_ =	shalt  }
0x6e: {  	_ =	shalt  }
0x6f: {  	_ =	shalt  }
0x70: {  	_ =	shalt  }
0x71: {  	_ =	shalt  }
0x72: {  	_ =	shalt  }
0x73: {  	_ =	shalt  }
0x74: {  	_ =	shalt  }
0x75: {  	_ =	shalt  }
0x76: {  	_ =	shalt  }
0x77: {  	_ =	shalt  }
0x78: {  	_ =	shalt  }
0x79: {  	_ =	shalt  }
0x7a: {  	_ =	shalt  }
0x7b: {  	_ =	shalt  }
0x7c: {  	_ =	shalt  }
0x7d: {  	_ =	shalt  }
0x7e: {  	_ =	shalt  }
0x7f: {  	_ =	shalt  }
0x80: {  	_ =	shalt  }
0x81: {  	_ =	shalt  }
0x82: {  	_ =	shalt  }
0x83: {  	_ =	shalt  }
0x84: {  	_ =	shalt  }
0x85: {  	_ =	shalt  }
0x86: {  	_ =	shalt  }
0x87: {  	_ =	shalt  }
.Lfunc_end0:
.L_simem_size_0:
called_computation.1_lowered:
.L_overlay_start_0:
0x88: {  	s2 =	sld [smem:$0x3FD9]  }
0x89: {  	s3 =	sld [smem:$0x3FFE];
	_ =	sdelay $0x1  }
0x8a: {  	s1 =	srdreg.scid  }
0x8b: {  	s0 =	sand.u32 $0x1, s1  }
0x8c: {  	s17 =	sshll.u32 s0, $0xA;
	s2 =	sadd.s32 s3, s2  }
0x8d: {  	s2 =	sadd.s32 s2, s17  }
0x8e: {  	[smem:$0x3FC6] =	sst s2  }
0x8f: {  	_ = 	snop  }
0x90: {  	s2 =	sld [smem:$0x3FD0];
	(tm) =	ssettm $0x1  }
0x91: {  	s18 =	sld [smem:$0x3FFB];
	_ =	sdelay $0x3  }
0x92: {  	_ =	strace s18  }
0x93: {  	s3 =	sld [smem:$0x3FFC];
	_ =	sdelay $0x3  }
0x94: {  	_ =	strace s3  }
0x95: {  	s3 =	sld [smem:$0x3FFD];
	_ =	sdelay $0x3  }
0x96: {  	_ =	strace s3  }
0x97: {  	_ =	strace $0x8FFFFFFF  }
0x98: {  	s19 =	sld [smem:$0x3FDB];
	_ =	sdelay $0x1  }
0x99: {  	s4 =	simm.s32 $_scs_section_size  }
0x9a: {  	s5 =	simm.s32 $_size__tile_overlayer_lowered;
	s6 =	simm.s32 $_tile_overlayer_lowered  }
0x9b: {  	s22 =	simm.s32 $0x1BFF;
	s21 =	sshll.u32 s6, $0x1;
	s3 =	sadd.s32 s4, s19  }
0x9c: {  	s7 =	simm.s32 $0x0;
	s20 =	sshll.u32 s5, $0x1;
	s5 =	sadd.s32 s21, s3  }
0x9d: {  	[timem:s7], [sflag:s22] =	dma.local [hbm:s5], s20  }
0x9e: {  	_ =	swait.ge [sflag:s22], s20  }
0x9f: {  	s4 =	ssub.s32 $0x0, s20;
	[sflag:s22] =	ssyncset.done $0x0  }
0xa0: {  	[sflag:s22] =	ssyncadd.s32 s4;
	_ =	sdelay $0x1  }
0xa1: {  	s23 =	simm.s32 $0x1B8B  }
0xa2: {  	_ =	swait.ge [sflag:s23], $0x1  }
0xa3: {  	[sflag:s23] =	ssyncset.done $0x0  }
0xa4: {  	s25 =	simm.s32 $0x1B8E;
	s24 =	sld [smem:$0x3FFE];
	[sflag:s23] =	ssyncadd.s32 $0xFFFFFFFF  }
0xa5: {  	s26 =	simm.s32 $execute0_lowered;
	[smem:$0x3FD2] =	sst s25  }
0xa6: {  	s5 =	sshll.u32 s26, $0x1;
	_ =	strace $0x80000046;
	[dreg:$0x1] =	wrdreg $0xFFFFFFFF  }
0xa7: {  	s28 =	simm.s32 $_size_execute0_lowered;
	s3 =	sadd.s32 s3, s5;
	[dreg:$0x0] =	wrdreg $0x0  }
0xa8: {  	s5 =	sshll.u32 s28, $0x1;
	[dreg:$0x2] =	wrdreg s3  }
0xa9: {  	[dreg:$0x3] =	wrdreg s5  }
0xaa: {  	[dreg:$0x4] =	wrdreg $0xC0  }
0xab: {  	_ =	task [dreg:s7], $0x5FFFF  }
0xac: {  	[dreg:$0x1] =	wrdreg $0xFFFFFFFF  }
0xad: {  	[dreg:$0x0] =	wrdreg $0x60  }
0xae: {  	[dreg:$0x2] =	wrdreg s2  }
0xaf: {  	[dreg:$0x3] =	wrdreg s24  }
0xb0: {  	[dreg:$0x4] =	wrdreg $0x9  }
0xb1: {  	_ =	task.clear_ibuf [dreg:s7], $0x5FFFF;
	_ =	strace $0x90000046  }
0xb2: {  	s29 =	simm.s32 $0x9;
	_ =	strace $0x80000048  }
0xb3: {  	_ =	swait.ge [sflag:s29], $0x1  }
0xb4: {  	[sflag:s29] =	ssyncadd.s32 $0xFFFFFFFF  }
0xb5: {  	_ =	strace $0x90000048  }
0xb6: {  	_ =	sfence  }
0xb7: {  	s30 =	sld [smem:$0x0];
	_ =	sdelay $0x2  }
0xb8: {  	s31 =	sshll.u32 s1, $0xD;
	s1 =	sshrl.u32 s1, $0x2  }
0xb9: {  	s3 =	sand.u32 $0x4000, s31;
	s1 =	sadd.s32 s1, s30  }
0xba: {  	s0 =	sor.u32 s3, s0;
	s1 =	sshll.u32 s1, $0x11  }
0xbb: {  	s0 =	sor.u32 s1, s0  }
0xbc: {  	s0 =	sadd.s32 $0x8F2B, s0  }
0xbd: {  	[sflag:s0] =	ssyncadd.remote.s32 $0x1  }
0xbe: {  	_ =	sfence.sel $0xFFFF  }
0xbf: {  	[dreg:$0x0] =	wrdreg $0xFFFFFFFF;
	(pc) =	sbr.abs _section_cstart, $3  }
0xc0: {  	[dreg:$0x1] =	wrdreg $0xFFFFFFFF  }
0xc1: {  	_ =	task.clear_ibuf [dreg:s7], $0x2FFFF;
	_ =	strace $0x9FFFFFFF  }
0xc2: {  	(tm) =	ssettm $0x7FFFFFFF  }
0xc3: {  	_ =	shalt  }
tec
execute0_lowered:
.L_overlay_start_1:
0x0: {  	(tag) =	ssettag $0x1  }
0x1: {  	s0 =	rddreg [dreg:$0x0]  }
0x2: {  	s1 =	rddreg [dreg:$0x1];
	s2 =	simm.s32 $0x0;
	s3 =	srdreg.scid  }
0x3: {  	s7 =	stileid.u32;
	s9 =	simm.s32 $0x1;
	s10 =	simm.s32 $0x6800  }
0x4: {  	s11 =	simm.s32 $0x68;
	s12 =	simm.s32 $0xD000;
	s13 =	simm.s32 $0x60  }
0x5: {  	s17 =	simm.s32 $0x10200;
	s19 =	simm.s32 $0x11C00;
	s20 =	simm.s32 $0x2  }
0x6: {  	s21 =	simm.s32 $0x40;
	s22 =	simm.s32 $0x13400;
	s28 =	simm.s32 $0x4  }
0x7: {  	s29 =	simm.s32 $0x5;
	s30 =	simm.s32 $0x6;
	s31 =	simm.s32 $0x7  }
0x8: {  	v0 =	vlaneseq.u32;
	[smem:$0x7FF] =	sst s2;
	s4 =	sand.u32 $0x1, s3;
	s3 =	sadd.s32 $0xF42E00, s1  }
0x9: {  	s5 =	smul.u32 $0xC8000, s7;
	s7 =	sshll.u32 s7, $0x8;
	v1 =	vmul.u32 $0x80, v0;
	_ =	strace $0x80000047  }
0xa: {  	v3 =	vor.u32 $0x10, v0;
	v5 =	vor.u32 $0x20, v0;
	v7 =	vor.u32 $0x30, v0;
	s6 =	ssub.s32 $0x2, s4;
	s8 =	sshll.u32 s4, $0x7;
	s4 =	smul.u32 $0x64000, s4  }
0xb: {  	v9 =	vor.u32 $0x40, v0;
	v11 =	vor.u32 $0x50, v0;
	v13 =	vor.u32 $0x60, v0;
	s1 =	sadd.s32 s5, s1;
	s23 =	sshrl.u32 s6, $0x1;
	s7 =	sor.u32 s8, s7  }
0xc: {  	v15 =	vor.u32 $0x70, v0;
	v17 =	vor.u32 $0x80, v0;
	v19 =	vor.u32 $0x90, v0;
	s8 =	simm.s32 $0x0;
	s5 =	ssub.s32 s6, s23;
	s24 =	sshrl.u32 s7, $0x3  }
.Ltmp0:
0xd: {  	v21 =	vor.u32 $0xA0, v0;
	v23 =	vor.u32 $0xB0, v0;
	v25 =	vor.u32 $0xC0, v0;
	s1 =	sadd.s32 s4, s1;
	s0 =	sadd.s32 s0, s24;
	(pc) =	sbr.rel .LBB2_1-.Ltmp0, $4  }
0xe: {  	v2 =	vor.u32 $0x800, v1;
	v4 =	vor.u32 $0x1000, v1;
	v6 =	vor.u32 $0x1800, v1;
	s7 =	simm.s32 $0x80;
	s25 =	smax.u32 s5, $0x1;
	[dreg:$0x3] =	wrdreg s0  }
0xf: {  	v8 =	vor.u32 $0x2000, v1;
	v10 =	vor.u32 $0x2800, v1;
	v12 =	vor.u32 $0x3000, v1;
	s23 =	simm.s32 $0x14E00;
	s26 =	sadd.s32 $0xA00, s1;
	[dreg:$0x4] =	wrdreg s25  }
0x10: {  	v14 =	vor.u32 $0x3800, v1;
	v16 =	vor.u32 $0x4000, v1;
	v18 =	vor.u32 $0x4800, v1;
	s24 =	simm.s32 $0x3;
	s1 =	simm.s32 $0x9;
	[dreg:$0x5] =	wrdreg s26  }
0x11: {  	v20 =	vor.u32 $0x5000, v1;
	v22 =	vor.u32 $0x5800, v1;
	v24 =	vor.u32 $0x6000, v1;
	s25 =	simm.s32 $0x16600;
	s26 =	simm.s32 $0x18000;
	s0 =	simm.s32 $0x8  }
.LBB2_6:
0x12: {  	_ =	swait.ge [sflag:s30], $0x3200  }
0x13: {  	[sflag:s30] =	ssyncset.done $0x0  }
0x14: {  	[sflag:s30] =	ssyncadd.s32 $0xFFFFCE00  }
0x15: {  	_ =	swait.ge [sflag:s31], $0x3200  }
0x16: {  	[sflag:s31] =	ssyncset.done $0x0  }
0x17: {  	[sflag:s31] =	ssyncadd.s32 $0xFFFFCE00  }
0x18: {  	_ =	swait.ge [sflag:s0], $0x3200  }
0x19: {  	[sflag:s0] =	ssyncset.done $0x0  }
0x1a: {  	[sflag:s0] =	ssyncadd.s32 $0xFFFFCE00  }
0x1b: {  	_ =	swait.ge [sflag:s1], $0x3200  }
0x1c: {  	s8 =	sadd.s32 $0x1, s8;
	s4 =	rddreg [dreg:$0x4]  }
0x1d: {  	p0 =	sne.s32 s8, s4  }
.Ltmp1:
0x1e: {  	_ = 	snop;
	(pc) =	sbr.rel @!p0 .LBB2_7-.Ltmp1, $3  }
0x1f: {  	_ =	sdelay $0x1  }
0x20: {  	[sflag:s1] =	ssyncset.done $0x0  }
0x21: {  	[sflag:s1] =	ssyncadd.s32 $0xFFFFCE00  }
.LBB2_1:
0x22: {  	v26 =	vadd.s32 s2, v0  }
0x23: {  	s14 =	sand.u32 $0x70, s2;
	v27 =	vand.u32 $0xF, v26  }
0x24: {  	v27 =	vor.u32 s14, v27  }
0x25: {  	v26 =	vand.u32 $0x7, v26;
	v28 =	vand.u32 $0x78, v27  }
0x26: {  	v30 =	vor.u32 v26, v28  }
0x27: {  	s4 =	rddreg [dreg:$0x3];
	s5 =	simm.s32 $0x1000;
	v28 =	vor.u32 v1, v30  }
0x28: {  	[tilespmem:s2], [sflag:$0x1] =	stream.strided.gather [hbm4b:s4+s7], $0x6400, s5, s7, $0x38;
	[tilespmem:$0x19800] =	vst v63  }
0x29: {  	_ =	swait.ge [sflag:s9], $0x6400  }
0x2a: {  	[sflag:s9] =	ssyncset.done $0x0;
	v26 =	vmul.u32 $0xD0, v27  }
0x2b: {  	[sflag:s9] =	ssyncadd.s32 $0xFFFF9C00  }
0x2c: {  	v27 =	vld.idx.msk [tilespmem:v28+s2+$0x0], $0xffff;
	v28 =	vor.u32 v0, v26  }
0x2d: {  	v29 =	vor.u32 v2, v30;
	_ =	sdelay $0x3  }
0x2e: {  	[tilespmem:v28+s10+$0x0] =	vst.idx.msk $0xffff, v27  }
0x2f: {  	v28 =	vadd.s32 v3, v26;
	v27 =	vld.idx.msk [tilespmem:v29+s2+$0x0], $0xffff  }
0x30: {  	v29 =	vor.u32 v4, v30;
	_ =	sdelay $0x3  }
0x31: {  	[tilespmem:v28+s10+$0x0] =	vst.idx.msk $0xffff, v27  }
0x32: {  	v28 =	vadd.s32 v5, v26;
	v27 =	vld.idx.msk [tilespmem:v29+s2+$0x0], $0xffff  }
0x33: {  	v29 =	vor.u32 v6, v30;
	_ =	sdelay $0x3  }
0x34: {  	[tilespmem:v28+s10+$0x0] =	vst.idx.msk $0xffff, v27  }
0x35: {  	v28 =	vadd.s32 v7, v26;
	v27 =	vld.idx.msk [tilespmem:v29+s2+$0x0], $0xffff  }
0x36: {  	v29 =	vor.u32 v8, v30;
	_ =	sdelay $0x3  }
0x37: {  	[tilespmem:v28+s10+$0x0] =	vst.idx.msk $0xffff, v27  }
0x38: {  	v28 =	vadd.s32 v9, v26;
	v27 =	vld.idx.msk [tilespmem:v29+s2+$0x0], $0xffff  }
0x39: {  	v29 =	vor.u32 v10, v30;
	_ =	sdelay $0x3  }
0x3a: {  	[tilespmem:v28+s10+$0x0] =	vst.idx.msk $0xffff, v27  }
0x3b: {  	v28 =	vadd.s32 v11, v26;
	v27 =	vld.idx.msk [tilespmem:v29+s2+$0x0], $0xffff  }
0x3c: {  	v29 =	vor.u32 v12, v30;
	_ =	sdelay $0x3  }
0x3d: {  	[tilespmem:v28+s10+$0x0] =	vst.idx.msk $0xffff, v27  }
0x3e: {  	v28 =	vadd.s32 v13, v26;
	v27 =	vld.idx.msk [tilespmem:v29+s2+$0x0], $0xffff  }
0x3f: {  	v29 =	vor.u32 v14, v30;
	_ =	sdelay $0x3  }
0x40: {  	[tilespmem:v28+s10+$0x0] =	vst.idx.msk $0xffff, v27  }
0x41: {  	v28 =	vadd.s32 v15, v26;
	v27 =	vld.idx.msk [tilespmem:v29+s2+$0x0], $0xffff  }
0x42: {  	v29 =	vor.u32 v16, v30;
	_ =	sdelay $0x3  }
0x43: {  	[tilespmem:v28+s10+$0x0] =	vst.idx.msk $0xffff, v27  }
0x44: {  	v28 =	vadd.s32 v17, v26;
	v27 =	vld.idx.msk [tilespmem:v29+s2+$0x0], $0xffff  }
0x45: {  	v29 =	vor.u32 v18, v30;
	_ =	sdelay $0x3  }
0x46: {  	[tilespmem:v28+s10+$0x0] =	vst.idx.msk $0xffff, v27  }
0x47: {  	v28 =	vadd.s32 v19, v26;
	v27 =	vld.idx.msk [tilespmem:v29+s2+$0x0], $0xffff  }
0x48: {  	v29 =	vor.u32 v20, v30;
	_ =	sdelay $0x3  }
0x49: {  	[tilespmem:v28+s10+$0x0] =	vst.idx.msk $0xffff, v27  }
0x4a: {  	v28 =	vadd.s32 v21, v26;
	v27 =	vld.idx.msk [tilespmem:v29+s2+$0x0], $0xffff  }
0x4b: {  	v29 =	vor.u32 v22, v30;
	_ =	sdelay $0x3  }
0x4c: {  	[tilespmem:v28+s10+$0x0] =	vst.idx.msk $0xffff, v27  }
0x4d: {  	v28 =	vld.idx.msk [tilespmem:v29+s2+$0x0], $0xffff;
	v29 =	vadd.s32 v23, v26  }
0x4e: {  	v27 =	vor.u32 v24, v30  }
0x4f: {  	s14 =	simm.s32 $0x1  }
0x50: {  	s15 =	simm.s32 $0x2;
	v30 =	vadd.s32 s14, v0  }
.LBB2_2:
0x51: {  	p0 =	sne.s32 s15, $0x7F;
	s16 =	sand.u32 $0x70, s14;
	v31 =	vand.u32 $0xF, v30;
	s14 =	smov.u32 s15  }
0x52: {  	v31 =	vor.u32 s16, v31;
	[tilespmem:v29+s10+$0x0] =	vst.idx.msk $0xffff, v28  }
0x53: {  	v29 =	vand.u32 $0x7, v30;
	v28 =	vand.u32 $0x78, v31;
	v30 =	vld.idx.msk [tilespmem:v27+s2+$0x0], $0xffff  }
0x54: {  	v27 =	vor.u32 v29, v28;
	v28 =	vadd.s32 v25, v26  }
0x55: {  	v29 =	vor.u32 v1, v27;
	_ =	sdelay $0x3  }
0x56: {  	v26 =	vmul.u32 $0xD0, v31;
	[tilespmem:v28+s10+$0x0] =	vst.idx.msk $0xffff, v30  }
0x57: {  	v28 =	vld.idx.msk [tilespmem:v29+s2+$0x0], $0xffff  }
0x58: {  	v29 =	vor.u32 v0, v26  }
0x59: {  	v30 =	vor.u32 v2, v27;
	_ =	sdelay $0x3  }
0x5a: {  	[tilespmem:v29+s10+$0x0] =	vst.idx.msk $0xffff, v28  }
0x5b: {  	v28 =	vld.idx.msk [tilespmem:v30+s2+$0x0], $0xffff  }
0x5c: {  	v29 =	vadd.s32 v3, v26  }
0x5d: {  	v30 =	vor.u32 v4, v27;
	_ =	sdelay $0x3  }
0x5e: {  	[tilespmem:v29+s10+$0x0] =	vst.idx.msk $0xffff, v28  }
0x5f: {  	v28 =	vld.idx.msk [tilespmem:v30+s2+$0x0], $0xffff  }
0x60: {  	v29 =	vadd.s32 v5, v26  }
0x61: {  	v30 =	vor.u32 v6, v27;
	_ =	sdelay $0x3  }
0x62: {  	[tilespmem:v29+s10+$0x0] =	vst.idx.msk $0xffff, v28  }
0x63: {  	v28 =	vld.idx.msk [tilespmem:v30+s2+$0x0], $0xffff  }
0x64: {  	v29 =	vadd.s32 v7, v26  }
0x65: {  	v30 =	vor.u32 v8, v27;
	_ =	sdelay $0x3  }
0x66: {  	[tilespmem:v29+s10+$0x0] =	vst.idx.msk $0xffff, v28  }
0x67: {  	v28 =	vld.idx.msk [tilespmem:v30+s2+$0x0], $0xffff  }
0x68: {  	v29 =	vadd.s32 v9, v26  }
0x69: {  	v30 =	vor.u32 v10, v27;
	_ =	sdelay $0x3  }
0x6a: {  	[tilespmem:v29+s10+$0x0] =	vst.idx.msk $0xffff, v28  }
0x6b: {  	v28 =	vld.idx.msk [tilespmem:v30+s2+$0x0], $0xffff  }
0x6c: {  	v29 =	vadd.s32 v11, v26  }
0x6d: {  	v30 =	vor.u32 v12, v27;
	_ =	sdelay $0x3  }
0x6e: {  	[tilespmem:v29+s10+$0x0] =	vst.idx.msk $0xffff, v28  }
0x6f: {  	v28 =	vld.idx.msk [tilespmem:v30+s2+$0x0], $0xffff  }
0x70: {  	v29 =	vadd.s32 v13, v26  }
0x71: {  	v30 =	vor.u32 v14, v27;
	_ =	sdelay $0x3  }
0x72: {  	[tilespmem:v29+s10+$0x0] =	vst.idx.msk $0xffff, v28  }
0x73: {  	v28 =	vld.idx.msk [tilespmem:v30+s2+$0x0], $0xffff  }
0x74: {  	v29 =	vadd.s32 v15, v26  }
0x75: {  	v30 =	vor.u32 v16, v27;
	_ =	sdelay $0x3  }
0x76: {  	[tilespmem:v29+s10+$0x0] =	vst.idx.msk $0xffff, v28  }
0x77: {  	v28 =	vld.idx.msk [tilespmem:v30+s2+$0x0], $0xffff  }
0x78: {  	v29 =	vadd.s32 v17, v26  }
0x79: {  	v30 =	vor.u32 v18, v27;
	_ =	sdelay $0x3  }
0x7a: {  	[tilespmem:v29+s10+$0x0] =	vst.idx.msk $0xffff, v28  }
0x7b: {  	v28 =	vld.idx.msk [tilespmem:v30+s2+$0x0], $0xffff  }
0x7c: {  	v29 =	vadd.s32 v19, v26  }
0x7d: {  	v30 =	vor.u32 v20, v27;
	_ =	sdelay $0x3  }
0x7e: {  	[tilespmem:v29+s10+$0x0] =	vst.idx.msk $0xffff, v28  }
0x7f: {  	v28 =	vld.idx.msk [tilespmem:v30+s2+$0x0], $0xffff  }
0x80: {  	v29 =	vadd.s32 v21, v26  }
0x81: {  	v30 =	vor.u32 v22, v27;
	_ =	sdelay $0x3  }
0x82: {  	[tilespmem:v29+s10+$0x0] =	vst.idx.msk $0xffff, v28  }
.Ltmp2:
0x83: {  	v28 =	vld.idx.msk [tilespmem:v30+s2+$0x0], $0xffff;
	(pc) =	sbr.rel @p0 .LBB2_2-.Ltmp2, $3  }
0x84: {  	v29 =	vadd.s32 v23, v26  }
0x85: {  	v27 =	vor.u32 v24, v27;
	_ =	sdelay $0x1  }
0x86: {  	s15 =	sadd.s32 $0x1, s15;
	v30 =	vadd.s32 s14, v0  }
0x87: {  	_ =	sdelay $0x1  }
0x88: {  	s14 =	sand.u32 $0x70, s14;
	v31 =	vand.u32 $0xF, v30  }
0x89: {  	v31 =	vor.u32 s14, v31  }
0x8a: {  	[tilespmem:v29+s10+$0x0] =	vst.idx.msk $0xffff, v28;
	v51 =	vand.u32 $0x7, v30;
	v50 =	vand.u32 $0x78, v31  }
0x8b: {  	v26 =	vadd.s32 v25, v26;
	v27 =	vld.idx.msk [tilespmem:v27+s2+$0x0], $0xffff;
	v28 =	vor.u32 v51, v50  }
0x8c: {  	v29 =	vor.u32 v1, v28;
	_ =	sdelay $0x2  }
0x8d: {  	v52 =	vmul.u32 $0xD0, v31  }
0x8e: {  	[tilespmem:v26+s10+$0x0] =	vst.idx.msk $0xffff, v27  }
0x8f: {  	v27 =	vor.u32 v0, v52;
	v26 =	vld.idx.msk [tilespmem:v29+s2+$0x0], $0xffff  }
0x90: {  	v53 =	vor.u32 v2, v28;
	_ =	sdelay $0x3  }
0x91: {  	[tilespmem:v27+s10+$0x0] =	vst.idx.msk $0xffff, v26  }
0x92: {  	v27 =	vadd.s32 v3, v52;
	v26 =	vld.idx.msk [tilespmem:v53+s2+$0x0], $0xffff  }
0x93: {  	v54 =	vor.u32 v4, v28;
	_ =	sdelay $0x3  }
0x94: {  	[tilespmem:v27+s10+$0x0] =	vst.idx.msk $0xffff, v26  }
0x95: {  	v27 =	vadd.s32 v5, v52;
	v26 =	vld.idx.msk [tilespmem:v54+s2+$0x0], $0xffff  }
0x96: {  	v55 =	vor.u32 v6, v28;
	_ =	sdelay $0x3  }
0x97: {  	[tilespmem:v27+s10+$0x0] =	vst.idx.msk $0xffff, v26  }
0x98: {  	v27 =	vadd.s32 v7, v52;
	v26 =	vld.idx.msk [tilespmem:v55+s2+$0x0], $0xffff  }
0x99: {  	v56 =	vor.u32 v8, v28;
	_ =	sdelay $0x3  }
0x9a: {  	[tilespmem:v27+s10+$0x0] =	vst.idx.msk $0xffff, v26  }
0x9b: {  	v27 =	vadd.s32 v9, v52;
	v26 =	vld.idx.msk [tilespmem:v56+s2+$0x0], $0xffff  }
0x9c: {  	v57 =	vor.u32 v10, v28;
	_ =	sdelay $0x3  }
0x9d: {  	[tilespmem:v27+s10+$0x0] =	vst.idx.msk $0xffff, v26  }
0x9e: {  	v27 =	vadd.s32 v11, v52;
	v26 =	vld.idx.msk [tilespmem:v57+s2+$0x0], $0xffff  }
0x9f: {  	v58 =	vor.u32 v12, v28;
	_ =	sdelay $0x3  }
0xa0: {  	[tilespmem:v27+s10+$0x0] =	vst.idx.msk $0xffff, v26  }
0xa1: {  	v27 =	vadd.s32 v13, v52;
	v26 =	vld.idx.msk [tilespmem:v58+s2+$0x0], $0xffff  }
0xa2: {  	v59 =	vor.u32 v14, v28;
	_ =	sdelay $0x3  }
0xa3: {  	[tilespmem:v27+s10+$0x0] =	vst.idx.msk $0xffff, v26  }
0xa4: {  	v27 =	vadd.s32 v15, v52;
	v26 =	vld.idx.msk [tilespmem:v59+s2+$0x0], $0xffff  }
0xa5: {  	v60 =	vor.u32 v16, v28;
	_ =	sdelay $0x3  }
0xa6: {  	[tilespmem:v27+s10+$0x0] =	vst.idx.msk $0xffff, v26  }
0xa7: {  	v27 =	vadd.s32 v17, v52;
	v26 =	vld.idx.msk [tilespmem:v60+s2+$0x0], $0xffff  }
0xa8: {  	v61 =	vor.u32 v18, v28;
	_ =	sdelay $0x3  }
0xa9: {  	[tilespmem:v27+s10+$0x0] =	vst.idx.msk $0xffff, v26  }
0xaa: {  	v27 =	vadd.s32 v19, v52;
	v26 =	vld.idx.msk [tilespmem:v61+s2+$0x0], $0xffff  }
0xab: {  	v62 =	vor.u32 v20, v28;
	_ =	sdelay $0x3  }
0xac: {  	[tilespmem:v27+s10+$0x0] =	vst.idx.msk $0xffff, v26  }
0xad: {  	v27 =	vadd.s32 v21, v52;
	v26 =	vld.idx.msk [tilespmem:v62+s2+$0x0], $0xffff  }
0xae: {  	v63 =	vor.u32 v22, v28;
	_ =	sdelay $0x3  }
0xaf: {  	[tilespmem:v27+s10+$0x0] =	vst.idx.msk $0xffff, v26  }
0xb0: {  	v27 =	vadd.s32 v23, v52;
	v26 =	vld.idx.msk [tilespmem:v63+s2+$0x0], $0xffff  }
0xb1: {  	v28 =	vor.u32 v24, v28;
	_ =	sdelay $0x3  }
0xb2: {  	[tilespmem:v27+s10+$0x0] =	vst.idx.msk $0xffff, v26  }
0xb3: {  	v27 =	vadd.s32 v25, v52;
	v26 =	vld.idx.msk [tilespmem:v28+s2+$0x0], $0xffff;
	_ =	sdelay $0x4  }
0xb4: {  	[tilespmem:v27+s10+$0x0] =	vst.idx.msk $0xffff, v26  }
0xb5: {  	[tilespmem:s12], [sflag:$0x2] =	stream.indirect.gather [hbm4b:s3+s11], $0x40, s10, s11, $0xb8;
	[tilespmem:$0x19800] =	vst v63  }
0xb6: {  	s4 =	simm.s32 $0x6868;
	s5 =	simm.s32 $0xEA00  }
0xb7: {  	[tilespmem:s5], [sflag:$0x2] =	stream.indirect.gather [hbm4b:s3+s13], $0x40, s4, s13, $0xb8;
	[tilespmem:$0x19800] =	vst v63  }
0xb8: {  	s16 =	simm.s32 $0x68D0  }
0xb9: {  	[tilespmem:s17], [sflag:$0x3] =	stream.indirect.gather [hbm4b:s3+s11], $0x40, s16, s11, $0xb8;
	[tilespmem:$0x19800] =	vst v63  }
0xba: {  	s18 =	simm.s32 $0x6938;
	s15 =	rddreg [dreg:$0x5];
	s14 =	simm.s32 $0x0  }
0xbb: {  	[tilespmem:s19], [sflag:$0x3] =	stream.indirect.gather [hbm4b:s3+s13], $0x40, s18, s13, $0xb8;
	[tilespmem:$0x19800] =	vst v63  }
.LBB2_4:
0xbc: {  	_ =	swait.ge [sflag:s20], $0x1A00  }
0xbd: {  	[sflag:s20] =	ssyncset.done $0x0  }
0xbe: {  	[sflag:s20] =	ssyncadd.s32 $0xFFFFE600  }
0xbf: {  	_ =	swait.ge [sflag:s20], $0x1800  }
0xc0: {  	p0 =	seq.s32 s14, $0x0;
	[sflag:s20] =	ssyncset.done $0x0  }
0xc1: {  	s18 =	simm.s32 @!p0 $0x8;
	[sflag:s20] =	ssyncadd.s32 $0xFFFFE800  }
0xc2: {  	[hbm4b:s15+s21] =	stream.strided.scatter [tilespmem:s12], [sflag:$0x6], $0x3200, s7, s21, $0x38;
	[tilespmem:$0x19800] =	vst v63  }
0xc3: {  	_ =	swait.ge @!p0 [sflag:s18], $0x3200  }
0xc4: {  	s16 =	sshra.s32 s14, $0x2;
	[sflag:s18] =	ssyncset.done @!p0 $0x0  }
0xc5: {  	s4 =	sadd.s32 $0x69A0, s16;
	[sflag:s18] =	ssyncadd.s32 @!p0 $0xFFFFCE00  }
0xc6: {  	[tilespmem:s22], [sflag:$0x4] =	stream.indirect.gather [hbm4b:s3+s11], $0x40, s4, s11, $0xb8;
	[tilespmem:$0x19800] =	vst v63  }
0xc7: {  	s5 =	sadd.s32 $0x6A08, s16  }
0xc8: {  	[tilespmem:s23], [sflag:$0x4] =	stream.indirect.gather [hbm4b:s3+s13], $0x40, s5, s13, $0xb8;
	[tilespmem:$0x19800] =	vst v63  }
0xc9: {  	_ =	swait.ge [sflag:s24], $0x1A00  }
0xca: {  	[sflag:s24] =	ssyncset.done $0x0  }
0xcb: {  	[sflag:s24] =	ssyncadd.s32 $0xFFFFE600  }
0xcc: {  	_ =	swait.ge [sflag:s24], $0x1800  }
0xcd: {  	[sflag:s24] =	ssyncset.done $0x0  }
0xce: {  	s6 =	sadd.s32 $0xC80, s15;
	s18 =	simm.s32 @!p0 $0x9;
	[sflag:s24] =	ssyncadd.s32 $0xFFFFE800  }
0xcf: {  	[hbm4b:s6+s21] =	stream.strided.scatter [tilespmem:s17], [sflag:$0x7], $0x3200, s7, s21, $0x38;
	[tilespmem:$0x19800] =	vst v63  }
0xd0: {  	_ =	swait.ge @!p0 [sflag:s18], $0x3200  }
0xd1: {  	[sflag:s18] =	ssyncset.done @!p0 $0x0  }
0xd2: {  	s4 =	sadd.s32 $0x6A70, s16;
	[sflag:s18] =	ssyncadd.s32 @!p0 $0xFFFFCE00  }
0xd3: {  	[tilespmem:s25], [sflag:$0x5] =	stream.indirect.gather [hbm4b:s3+s11], $0x40, s4, s11, $0xb8;
	[tilespmem:$0x19800] =	vst v63  }
0xd4: {  	s5 =	sadd.s32 $0x6AD8, s16  }
0xd5: {  	[tilespmem:s26], [sflag:$0x5] =	stream.indirect.gather [hbm4b:s3+s13], $0x40, s5, s13, $0xb8;
	[tilespmem:$0x19800] =	vst v63  }
0xd6: {  	_ =	swait.ge [sflag:s28], $0x1A00  }
0xd7: {  	[sflag:s28] =	ssyncset.done $0x0  }
0xd8: {  	[sflag:s28] =	ssyncadd.s32 $0xFFFFE600  }
0xd9: {  	_ =	swait.ge [sflag:s28], $0x1800  }
0xda: {  	p0 =	seq.s32 s14, $0x19300;
	[sflag:s28] =	ssyncset.done $0x0  }
0xdb: {  	s6 =	sadd.s32 $0x1900, s15;
	s18 =	simm.s32 @!p0 $0x6;
	[sflag:s28] =	ssyncadd.s32 $0xFFFFE800  }
0xdc: {  	[hbm4b:s6+s21] =	stream.strided.scatter [tilespmem:s22], [sflag:$0x8], $0x3200, s7, s21, $0x38;
	[tilespmem:$0x19800] =	vst v63  }
0xdd: {  	_ =	swait.ge @!p0 [sflag:s18], $0x3200  }
0xde: {  	[sflag:s18] =	ssyncset.done @!p0 $0x0  }
0xdf: {  	[sflag:s18] =	ssyncadd.s32 @!p0 $0xFFFFCE00;
	s18 =	sshra.s32 @!p0 s14, $0x2  }
0xe0: {  	s5 =	simm.s32 @!p0 $0x68;
	s6 =	simm.s32 @!p0 $0xD000;
	s4 =	sadd.s32 @!p0 $0x6B40, s18  }
0xe1: {  	[tilespmem:s6], [sflag:$0x2] =	stream.indirect.gather @!p0 [hbm4b:s3+s5], $0x40, s4, s5, $0xb8;
	[tilespmem:$0x19800] =	vst v63  }
0xe2: {  	s4 =	sadd.s32 @!p0 $0x6BA8, s18;
	s5 =	simm.s32 @!p0 $0x60;
	s6 =	simm.s32 @!p0 $0xEA00  }
0xe3: {  	[tilespmem:s6], [sflag:$0x2] =	stream.indirect.gather @!p0 [hbm4b:s3+s5], $0x40, s4, s5, $0xb8;
	[tilespmem:$0x19800] =	vst v63  }
0xe4: {  	_ =	swait.ge [sflag:s29], $0x1A00  }
0xe5: {  	[sflag:s29] =	ssyncset.done $0x0  }
.Ltmp3:
0xe6: {  	[sflag:s29] =	ssyncadd.s32 $0xFFFFE600;
	(pc) =	sbr.rel @p0 .LBB2_6-.Ltmp3, $4  }
0xe7: {  	_ =	swait.ge [sflag:s29], $0x1800  }
0xe8: {  	[sflag:s29] =	ssyncset.done $0x0  }
0xe9: {  	s18 =	sadd.s32 $0x2580, s15;
	[sflag:s29] =	ssyncadd.s32 $0xFFFFE800  }
0xea: {  	[hbm4b:s18+s21] =	stream.strided.scatter [tilespmem:s25], [sflag:$0x9], $0x3200, s7, s21, $0x38;
	[tilespmem:$0x19800] =	vst v63  }
0xeb: {  	_ =	swait.ge [sflag:s31], $0x3200  }
.Ltmp4:
0xec: {  	[sflag:s31] =	ssyncset.done $0x0;
	(pc) =	sbr.rel .LBB2_4-.Ltmp4, $4  }
0xed: {  	s4 =	sadd.s32 $0x6C10, s16;
	[sflag:s31] =	ssyncadd.s32 $0xFFFFCE00  }
0xee: {  	[tilespmem:s17], [sflag:$0x3] =	stream.indirect.gather [hbm4b:s3+s11], $0x40, s4, s11, $0xb8;
	[tilespmem:$0x19800] =	vst v63  }
0xef: {  	s18 =	sadd.s32 $0x6C78, s16;
	s14 =	sadd.s32 $0xD00, s14;
	s15 =	sadd.s32 $0x3200, s15  }
0xf0: {  	[tilespmem:s19], [sflag:$0x3] =	stream.indirect.gather [hbm4b:s3+s13], $0x40, s18, s13, $0xb8;
	[tilespmem:$0x19800] =	vst v63  }
.LBB2_7:
0xf1: {  	_ =	sfence.sel $0x180000  }
0xf2: {  	[bflag:$0x0] =	sbarrier.arrive $0xFFFF  }
0xf3: {  	_ =	strace $0x90000047  }
0xf4: {  	s0 =	stileid.u32;
	[bflag:$0x2] =	sbarrier.arrive $0xFFFF  }
0xf5: {  	p0 =	sne.s32 s0, $0x0;
	s0 =	rddreg [dreg:$0x2]  }
0xf6: {  	s0 =	sadd.s32 @!p0 $0x100000, s0  }
0xf7: {  	[sflag:s0] =	ssyncadd.tile.s32 @!p0 $0x1;
	_ =	shalt  }
.Lfunc_end2:
_tile_overlayer_lowered:
.L_overlay_start_2:
0xf8: {  	(tag) =	ssettag $0x2  }
0xf9: {  	s0 =	rddreg [dreg:$0x0];
	s2 =	stileid.u32  }
0xfa: {  	s1 =	rddreg [dreg:$0x1];
	p0 =	sne.s32 s2, $0x0  }
0xfb: {  	s3 =	rddreg [dreg:$0x2];
	[bflag:$0x3] =	sbarrier.arrive $0xFFFF;
	s2 =	simm.s32 @!p0 $0x1C0A  }
0xfc: {  	[timem:s3], [sflag:s2] =	dma.local @!p0 [hbm:s0], s1  }
0xfd: {  	s0 =	simm.s32 @!p0 $0xA  }
0xfe: {  	_ =	swait.ge @!p0 [sflag:s0], s1  }
0xff: {  	s1 =	ssub.s32 @!p0 $0x0, s1;
	[sflag:s0] =	ssyncset.done @!p0 $0x0  }
0x100: {  	[sflag:s0] =	ssyncadd.s32 @!p0 s1  }
0x101: {  	[bflag:$0x3] =	sbarrier.arrive $0xFFFF  }
0x102: {  	_ =	shalt  }

// kernel: sparse-core-data-format-call.cloned.1.call-start
scs
called_computation_lowered:
.L_overlay_start_0:
0x0: {  	s2 =	sld [smem:$0x3FD9]  }
0x1: {  	s3 =	sld [smem:$0x3FFE];
	_ =	sdelay $0x1  }
0x2: {  	s1 =	srdreg.scid  }
0x3: {  	s0 =	sand.u32 $0x1, s1  }
0x4: {  	s18 =	sshll.u32 s0, $0xA;
	s2 =	sadd.s32 s3, s2  }
0x5: {  	s2 =	sadd.s32 s2, s18  }
0x6: {  	[smem:$0x3FC6] =	sst s2  }
0x7: {  	_ = 	snop  }
0x8: {  	s2 =	sld [smem:$0x3FD0];
	(tm) =	ssettm $0x1  }
0x9: {  	s19 =	sld [smem:$0x3FFB];
	_ =	sdelay $0x3  }
0xa: {  	_ =	strace s19  }
0xb: {  	s3 =	sld [smem:$0x3FFC];
	_ =	sdelay $0x3  }
0xc: {  	_ =	strace s3  }
0xd: {  	s3 =	sld [smem:$0x3FFD];
	_ =	sdelay $0x3  }
0xe: {  	_ =	strace s3  }
0xf: {  	_ =	strace $0x8FFFFFFF  }
0x10: {  	s20 =	sld [smem:$0x3FDB];
	_ =	sdelay $0x1  }
0x11: {  	s4 =	simm.s32 $_scs_section_size  }
0x12: {  	s5 =	simm.s32 $_size__tile_overlayer_lowered;
	s6 =	simm.s32 $_tile_overlayer_lowered  }
0x13: {  	s23 =	simm.s32 $0x1BFF;
	s22 =	sshll.u32 s6, $0x1;
	s3 =	sadd.s32 s4, s20  }
0x14: {  	s7 =	simm.s32 $0x0;
	s21 =	sshll.u32 s5, $0x1;
	s5 =	sadd.s32 s22, s3  }
0x15: {  	[timem:s7], [sflag:s23] =	dma.local [hbm:s5], s21  }
0x16: {  	_ =	swait.ge [sflag:s23], s21  }
0x17: {  	s4 =	ssub.s32 $0x0, s21;
	[sflag:s23] =	ssyncset.done $0x0  }
0x18: {  	[sflag:s23] =	ssyncadd.s32 s4;
	_ =	sdelay $0x1  }
0x19: {  	s24 =	simm.s32 $0x1B8B  }
0x1a: {  	_ =	swait.ge [sflag:s24], $0x1  }
0x1b: {  	[sflag:s24] =	ssyncset.done $0x0  }
0x1c: {  	s26 =	simm.s32 $0x1B8E;
	s25 =	sld [smem:$0x3FFE];
	[sflag:s24] =	ssyncadd.s32 $0xFFFFFFFF  }
0x1d: {  	s27 =	simm.s32 $execute0_lowered;
	[smem:$0x3FD2] =	sst s26  }
0x1e: {  	s5 =	sshll.u32 s27, $0x1;
	_ =	strace $0x80000049;
	[dreg:$0x1] =	wrdreg $0xFFFFFFFF  }
0x1f: {  	s28 =	simm.s32 $_size_execute0_lowered;
	s3 =	sadd.s32 s3, s5;
	[dreg:$0x0] =	wrdreg $0x0  }
0x20: {  	s5 =	sshll.u32 s28, $0x1;
	[dreg:$0x2] =	wrdreg s3  }
0x21: {  	[dreg:$0x3] =	wrdreg s5  }
0x22: {  	[dreg:$0x4] =	wrdreg $0xC0  }
0x23: {  	_ =	task [dreg:s7], $0x5FFFF  }
0x24: {  	[dreg:$0x1] =	wrdreg $0xFFFFFFFF  }
0x25: {  	[dreg:$0x0] =	wrdreg $0x60  }
0x26: {  	[dreg:$0x2] =	wrdreg s25  }
0x27: {  	[dreg:$0x3] =	wrdreg s2  }
0x28: {  	[dreg:$0x4] =	wrdreg $0x9  }
0x29: {  	_ =	task.clear_ibuf [dreg:s7], $0x5FFFF;
	_ =	strace $0x90000049  }
0x2a: {  	s29 =	simm.s32 $0x9;
	_ =	strace $0x8000004B  }
0x2b: {  	_ =	swait.ge [sflag:s29], $0x1  }
0x2c: {  	[sflag:s29] =	ssyncadd.s32 $0xFFFFFFFF  }
0x2d: {  	_ =	strace $0x9000004B  }
0x2e: {  	_ =	sfence  }
0x2f: {  	s30 =	sld [smem:$0x0];
	_ =	sdelay $0x2  }
0x30: {  	s31 =	sshll.u32 s1, $0xD;
	s1 =	sshrl.u32 s1, $0x2  }
0x31: {  	s3 =	sand.u32 $0x4000, s31;
	s1 =	sadd.s32 s1, s30  }
0x32: {  	s0 =	sor.u32 s3, s0;
	s1 =	sshll.u32 s1, $0x11  }
0x33: {  	s0 =	sor.u32 s1, s0  }
0x34: {  	s0 =	sadd.s32 $0x8F2B, s0  }
0x35: {  	[sflag:s0] =	ssyncadd.remote.s32 $0x1  }
0x36: {  	_ =	sfence.sel $0xFFFF  }
0x37: {  	[dreg:$0x0] =	wrdreg $0xFFFFFFFF;
	(pc) =	sbr.abs _section_cstart, $3  }
0x38: {  	[dreg:$0x1] =	wrdreg $0xFFFFFFFF  }
0x39: {  	_ =	task.clear_ibuf [dreg:s7], $0x2FFFF;
	_ =	strace $0x9FFFFFFF  }
0x3a: {  	(tm) =	ssettm $0x7FFFFFFF  }
0x3b: {  	_ =	shalt  }
tec
execute0_lowered:
.L_overlay_start_1:
0x0: {  	(tag) =	ssettag $0x1  }
0x1: {  	s0 =	srdreg.scid  }
0x2: {  	s1 =	sshll.u32 s0, $0x4  }
0x3: {  	s0 =	stileid.u32;
	s1 =	sand.u32 $0x10, s1  }
0x4: {  	s1 =	sor.u32 s0, s1  }
0x5: {  	s6 =	rddreg [dreg:$0x0];
	s4 =	simm.s32 $0x1;
	s2 =	sshll.u32 s1, $0x7  }
0x6: {  	s7 =	simm.s32 $0x2;
	s12 =	simm.s32 $0x0;
	s1 =	ssub.s32 $0x1000, s2  }
0x7: {  	s8 =	simm.s32 $0x8000;
	s13 =	simm.s32 $0x0;
	s3 =	sand.u32 $0xF80, s1  }
0x8: {  	s9 =	simm.s32 $0x0;
	s5 =	sshrl.u32 s1, $0xC;
	p0 =	sne.s32 s3, $0x0  }
.Ltmp0:
0x9: {  	s1 =	rddreg [dreg:$0x2];
	s4 =	simm.s32 @!p0 $0x0;
	(pc) =	sbr.rel .LBB1_1-.Ltmp0, $4  }
0xa: {  	s11 =	simm.s32 $0x0;
	s3 =	rddreg [dreg:$0x1];
	s5 =	sadd.s32 s4, s5  }
0xb: {  	_ =	strace $0x8000004A;
	s4 =	simm.s32 $0x1;
	s5 =	smul.u32 $0xC8, s5  }
0xc: {  	s6 =	sadd.s32 $0xA00, s6;
	s10 =	smov.u32 s2;
	[sflag:s4] =	ssyncpa.u1 $0x0  }
0xd: {  	p0 =	por $0x0, $0x0;
	[sflag:s7] =	ssyncpa.u1 $0x0;
	s7 =	sor.u32 $0x1, s5  }
.LBB1_4:
0xe: {  	s16 =	sshll.u32 s13, $0x3;
	s17 =	sand.u32 $0x78, s13  }
0xf: {  	s30 =	sand.u32 $0x7E00, s13;
	s12 =	sshll.u32 s12, $0xF;
	s16 =	sand.u32 $0xC00, s16  }
0x10: {  	[tilespmem:s15+$0x810 ss:$0x81] =	vst.msk $0xffff, v2;
	s31 =	sand.u32 $0x7, s13;
	s16 =	sor.u32 s17, s16;
	s17 =	sadd.s32 s3, s30  }
0x11: {  	[tilespmem:s15+$0x1020 ss:$0x81] =	vst.msk $0xffff, v0;
	s13 =	sshll.u32 s31, $0x12;
	s12 =	sadd.s32 s12, s17;
	s16 =	sshrl.u32 s16, $0x3  }
0x12: {  	[tilespmem:s15+$0x0 ss:$0x81] =	vst.msk $0xffff, v1;
	s13 =	sor.u32 $0x400, s13;
	s12 =	sadd.s32 s16, s12  }
0x13: {  	[hbm4b:s12+s13] =	stream.strided.scatter [tilespmem:s14], [sflag:$0x2], $0x2000, s8, s13, $0x20;
	[tilespmem:$0x8080] =	vst v63  }
.LBB1_5:
0x14: {  	s14 =	sadd.s32 $0x1, s9  }
0x15: {  	s12 =	sadd.s32 $0x1000, s10;
	s16 =	smov.u32 s10;
	p2 =	sgt.s32 s14, $0xC7  }
0x16: {  	s16 =	smov.u32 @p2 s12  }
0x17: {  	s14 =	simm.s32 @p2 $0x0;
	p2 =	sgt.s32 s16, $0xFFF  }
0x18: {  	s16 =	smov.u32 @p2 s2;
	p2 =	sne.s32 s11, s7  }
.Ltmp1:
0x19: {  	p1 =	slt.u32 s11, $0x2;
	(pc) =	sbr.rel @!p2 .LBB1_6-.Ltmp1, $4  }
0x1a: {  	s15 =	simm.s32 @!p1 $0x2  }
0x1b: {  	s13 =	smov.u32 s10;
	p0 =	por !p0, !p0;
	_ =	swait.ge @!p1 [sflag:s15], $0x2000  }
0x1c: {  	s12 =	smov.u32 s9;
	[sflag:s15] =	ssyncset.done @!p1 $0x0;
	s9 =	smov.u32 s14  }
0x1d: {  	s11 =	sadd.s32 $0x1, s11;
	[sflag:s15] =	ssyncadd.s32 @!p1 $0xFFFFE000;
	s10 =	smov.u32 s16  }
.LBB1_1:
0x1e: {  	p1 =	sge.u32 s11, s5  }
0x1f: {  	s14 =	sand.u32 @!p1 $0x1FFFFFF, s9  }
0x20: {  	s15 =	smulhi.u32 @!p1 $0x147AE15, s14;
	_ =	sdelay $0x1  }
0x21: {  	s15 =	smul.u32 @!p1 $0xC8, s15  }
0x22: {  	s16 =	sxor.u32 @!p1 $0xFFFFFFFF, s11;
	s17 =	smul.u32 @!p1 $0xC80, s10  }
0x23: {  	s31 =	sadd.s32 $0xFFFFFFFF, s11;
	s16 =	sshll.u32 @!p1 s16, $0xD;
	s14 =	ssub.s32 @!p1 s14, s15  }
0x24: {  	s15 =	sand.u32 @!p1 $0x2000, s16;
	s16 =	sadd.s32 @!p1 s6, s17;
	s14 =	sshll.u32 @!p1 s14, $0x4  }
0x25: {  	s17 =	simm.s32 @!p1 $0x6400;
	s14 =	sadd.s32 @!p1 s14, s16;
	s16 =	simm.s32 @!p1 $0x40  }
0x26: {  	[tilespmem:s15], [sflag:$0x1] =	stream.strided.gather @!p1 [hbm4b:s14+s16], $0x2000, s17, s16, $0x38;
	[tilespmem:$0x8080] =	vst v63  }
0x27: {  	p1 =	sge.u32 s31, s5  }
.Ltmp2:
0x28: {  	_ = 	snop;
	(pc) =	sbr.rel @p1 .LBB1_5-.Ltmp2, $1  }
0x29: {  	_ =	sdelay $0x3  }
0x2a: {  	s14 =	simm.s32 $0x1  }
0x2b: {  	_ =	swait.ge [sflag:s4], $0x2000;
	s14 =	simm.s32 @!p0 $0x0  }
0x2c: {  	[sflag:s4] =	ssyncset.done $0x0;
	s15 =	sshll.u32 s14, $0xD  }
0x2d: {  	[sflag:s4] =	ssyncadd.s32 $0xFFFFE000;
	s18 =	sor.u32 $0x20, s15  }
0x2e: {  	s14 =	smul.u32 $0x8100, s14;
	v3 =	vld [tilespmem:s18+$0x10]  }
0x2f: {  	s30 =	sand.u32 $0x1, s11;
	v2 =	vld [tilespmem:s18+$0xFFFFFFF0]  }
0x30: {  	s15 =	smul.u32 $0x8100, s30;
	s14 =	sshrl.u32 s14, $0x2;
	v0 =	vld [tilespmem:s18+$0x0]  }
0x31: {  	v1 =	vld [tilespmem:s18+$0xFFFFFFE0];
	s16 =	sor.u32 $0x4000, s14  }
0x32: {  	s31 =	sshrl.u32 s15, $0x2;
	s15 =	sadd.s32 $0x0, s16  }
0x33: {  	s17 =	simm.s32 $0x4;
	s18 =	sadd.s32 $0x40, s18;
	s14 =	sor.u32 $0x4000, s31;
	[tilespmem:s15+$0x1830 ss:$0x81] =	vst.msk $0xffff, v3  }
.LBB1_3:
0x34: {  	v3 =	vld [tilespmem:s18+$0x10];
	p1 =	sne.s32 s17, $0x1FC;
	[tilespmem:s15+$0x810 ss:$0x81] =	vst.msk $0xffff, v2;
	s19 =	smov.u32 s17;
	s17 =	sadd.s32 $0x4, s17  }
.Ltmp3:
0x35: {  	v2 =	vld [tilespmem:s18+$0xFFFFFFF0];
	[tilespmem:s15+$0x1020 ss:$0x81] =	vst.msk $0xffff, v0;
	(pc) =	sbr.rel @p1 .LBB1_3-.Ltmp3, $4  }
0x36: {  	v0 =	vld [tilespmem:s18+$0x0];
	[tilespmem:s15+$0x0 ss:$0x81] =	vst.msk $0xffff, v1  }
0x37: {  	s15 =	sshra.s32 s19, $0x2;
	v1 =	vld [tilespmem:s18+$0xFFFFFFE0]  }
0x38: {  	s15 =	sadd.s32 s15, s16  }
0x39: {  	s18 =	sadd.s32 $0x40, s18;
	[tilespmem:s15+$0x1830 ss:$0x81] =	vst.msk $0xffff, v3  }
.Ltmp4:
0x3a: {  	_ = 	snop;
	(pc) =	sbr.rel .LBB1_4-.Ltmp4, $1  }
0x3b: {  	_ =	sdelay $0x3  }
.LBB1_6:
0x3c: {  	_ =	sfence.sel $0x180000  }
0x3d: {  	s2 =	simm.s32 $0x1;
	[bflag:$0x0] =	sbarrier.arrive $0xFFFF  }
0x3e: {  	s31 =	simm.s32 $0x2;
	[sflag:s2] =	ssyncpa.u1 $0x1  }
0x3f: {  	[sflag:s31] =	ssyncpa.u1 $0x1  }
0x40: {  	p0 =	sne.s32 s0, $0x0;
	_ =	strace $0x9000004A  }
0x41: {  	s0 =	sadd.s32 @!p0 $0x100000, s1;
	[bflag:$0x2] =	sbarrier.arrive $0xFFFF  }
0x42: {  	[sflag:s0] =	ssyncadd.tile.s32 @!p0 $0x1;
	_ =	shalt  }
.Lfunc_end1:
_tile_overlayer_lowered:
.L_overlay_start_2:
0x43: {  	(tag) =	ssettag $0x2  }
0x44: {  	s0 =	rddreg [dreg:$0x0];
	s2 =	stileid.u32  }
0x45: {  	s1 =	rddreg [dreg:$0x1];
	p0 =	sne.s32 s2, $0x0  }
0x46: {  	s3 =	rddreg [dreg:$0x2];
	[bflag:$0x3] =	sbarrier.arrive $0xFFFF;
	s2 =	simm.s32 @!p0 $0x1C01  }
0x47: {  	[timem:s3], [sflag:s2] =	dma.local @!p0 [hbm:s0], s1  }
0x48: {  	s0 =	simm.s32 @!p0 $0x1  }
0x49: {  	_ =	swait.ge @!p0 [sflag:s0], s1  }
0x4a: {  	s1 =	ssub.s32 @!p0 $0x0, s1;
	[sflag:s0] =	ssyncset.done @!p0 $0x0  }
0x4b: {  	[sflag:s0] =	ssyncadd.s32 @!p0 s1  }
0x4c: {  	[bflag:$0x3] =	sbarrier.arrive $0xFFFF  }
0x4d: {  	_ =	shalt  }

</sc_bundles>
